<compile_context>
chip_gen: v7x
topology: tpu7x:2x2x1
jax: 0.10.2.dev20260603
libtpu: 0.0.44.dev20260713+nightly
codegen_flags: <defaults>
</compile_context>

<pallas_src>
import functools

import jax
import jax.numpy as jnp
from jax import lax
from jax.experimental import pallas as pl
from jax.experimental.pallas import tpu as pltpu
from jax.experimental.pallas import tpu_sc as plsc

N = 512
E = 8192
P = 4096
M = 20
EBLK = 4096
QBLK = 2048
HQB = QBLK // 2
NEB = E // EBLK
NQB = (2 * P) // QBLK
NB = N // 8
TD = 128

_NC = 2
_NS = 16
_NW = _NC * _NS
_BPW = (2 * P) // _NW


def _k1(row_ref, col_ref, feat_ref, w0_ref, b0_ref, w1_ref, b1_ref,
        wm1_ref, bm1_ref, wm2_ref, bm2_ref,
        adjf_ref, adjt_ref, ti_ref, tj_ref, v1_ref, u2_ref, w_ref):
    e = pl.program_id(0)
    rows = row_ref[0, 0, :]
    cols = col_ref[0, 0, :]
    ids = jax.lax.broadcasted_iota(jnp.int32, (EBLK, N), 1)
    ohr = (rows[:, None] == ids).astype(jnp.bfloat16)
    ohc = (cols[:, None] == ids).astype(jnp.bfloat16)
    dn = (((0,), (0,)), ((), ()))
    pa = jax.lax.dot_general(ohr, ohc, dn,
                             preferred_element_type=jnp.float32
                             ).astype(jnp.bfloat16)
    pt = jax.lax.dot_general(ohc, ohr, dn,
                             preferred_element_type=jnp.float32
                             ).astype(jnp.bfloat16)

    @pl.when(e == 0)
    def _():
        adjf_ref[...] = pa
        adjt_ref[...] = pt

    @pl.when(e > 0)
    def _():
        adjf_ref[...] += pa
        adjt_ref[...] += pt

    @pl.when(e == NEB - 1)
    def _():
        f32 = jnp.float32
        adjtf = adjt_ref[...].astype(f32)
        deg = jnp.sum(adjtf, axis=1) + 1.0
        dinv = 1.0 / jnp.sqrt(deg)
        ir = jax.lax.broadcasted_iota(jnp.int32, (N, N), 0)
        ic = jax.lax.broadcasted_iota(jnp.int32, (N, N), 1)
        eye = (ir == ic).astype(f32)
        prop = (adjtf + eye) * (dinv[:, None] * dinv[None, :])
        h = jnp.dot(prop, jnp.dot(feat_ref[...], w0_ref[...],
                                  preferred_element_type=f32),
                    preferred_element_type=f32) + b0_ref[...]
        h = jnp.dot(prop, jnp.dot(h, w1_ref[...],
                                  preferred_element_type=f32),
                    preferred_element_type=f32) + b1_ref[...]
        wm1 = wm1_ref[...]
        wm2 = wm2_ref[...]
        u1 = jnp.dot(h, wm1[:M, :], preferred_element_type=f32) + bm1_ref[...]
        v1 = jnp.dot(h, wm1[M:, :], preferred_element_type=f32)
        u2 = jnp.dot(h, wm2[:M, :], preferred_element_type=f32)
        v2 = jnp.dot(h, wm2[M:, :], preferred_element_type=f32) + bm2_ref[...]
        v1_ref[...] = v1
        u2_ref[...] = u2
        w_ref[...] = v1 * u2
        icc = jax.lax.broadcasted_iota(jnp.int32, (N, NB), 0)
        iw = jax.lax.broadcasted_iota(jnp.int32, (N, NB), 1)
        packm = jnp.where((icc >> 3) == iw, (1 << (icc & 7)), 0).astype(f32)
        smb = jnp.dot(adjf_ref[...].astype(f32), packm,
                      preferred_element_type=f32)
        pmb = jnp.dot(adjtf, packm, preferred_element_type=f32)
        zpad = jnp.zeros((N, 32 - M), f32)
        ti_ref[...] = jnp.concatenate([u1, zpad, h, zpad, smb], axis=1)
        tj_ref[...] = jnp.concatenate([v2, zpad, h, zpad, pmb], axis=1)


def _sc_gather(ti_hbm, tj_hbm, iq_hbm, jq_hbm, gi_hbm, gj_hbm,
               idxi_v, idxj_v, rowsi_v, rowsj_v, semi, semj):
    wid = lax.axis_index("s") * _NC + lax.axis_index("c")
    base = wid * _BPW
    pltpu.sync_copy(iq_hbm.at[pl.ds(base, _BPW)], idxi_v)
    pltpu.sync_copy(jq_hbm.at[pl.ds(base, _BPW)], idxj_v)
    ci = pltpu.async_copy(ti_hbm.at[idxi_v], rowsi_v, semi)
    cj = pltpu.async_copy(tj_hbm.at[idxj_v], rowsj_v, semj)
    ci.wait()
    pltpu.sync_copy(rowsi_v, gi_hbm.at[pl.ds(base, _BPW)])
    cj.wait()
    pltpu.sync_copy(rowsj_v, gj_hbm.at[pl.ds(base, _BPW)])


def _k2(jq_ref, gi_ref, gj_ref, v1_ref, u2_ref, w_ref,
        wm3_ref, bm3_ref, wdir_ref, bdir_ref, out_ref):
    f32 = jnp.float32
    jqv = jq_ref[0, 0, :]
    gi = gi_ref[...]
    gj = gj_ref[...]
    u1q = gi[:, 0:M]
    hr = gi[:, 32:32 + M]
    v2q = gj[:, 0:M]
    hc = gj[:, 32:32 + M]
    ibw = jax.lax.broadcasted_iota(jnp.int32, (NB, N), 0)
    icc = jax.lax.broadcasted_iota(jnp.int32, (NB, N), 1)
    dmat = (ibw == (icc >> 3)).astype(f32)
    ilane = jax.lax.broadcasted_iota(jnp.int32, (1, N), 1)
    shinv = (1.0 / (1 << (ilane & 7)).astype(f32))
    bi = jnp.floor(jnp.dot(gi[:, 64:], dmat, preferred_element_type=f32)
                   * shinv)
    aqr = bi - 2.0 * jnp.floor(bi * 0.5)
    bj = jnp.floor(jnp.dot(gj[:, 64:], dmat, preferred_element_type=f32)
                   * shinv)
    aqc = bj - 2.0 * jnp.floor(bj * 0.5)
    z = aqr * aqc
    cnt = jnp.sum(z, axis=1)
    s1 = jnp.dot(z, v1_ref[...], preferred_element_type=f32)
    s2 = jnp.dot(z, u2_ref[...], preferred_element_type=f32)
    sx = jnp.dot(z, w_ref[...], preferred_element_type=f32)
    ids = jax.lax.broadcasted_iota(jnp.int32, (QBLK, N), 1)
    ohjf = (jqv[:, None] == ids).astype(f32)
    adjflag = jnp.sum(aqr * ohjf, axis=1)
    pd = (u1q * v2q) * cnt[:, None] + u1q * s2 + v2q * s1 + sx
    union = ((cnt + adjflag) > 0.0).astype(f32)
    wm3 = wm3_ref[...]
    aval = ((jnp.dot(pd, wm3[:M, :], preferred_element_type=f32)
             + adjflag[:, None] * wm3[M, :][None, :] + bm3_ref[...])
            * union[:, None])
    xf = aval[0:HQB, :] * aval[HQB:QBLK, :]
    xx = hr[0:HQB, :] * hc[0:HQB, :]
    wdir = wdir_ref[...]
    out_ref[...] = (jnp.dot(xf, wdir[:M, :], preferred_element_type=f32)
                    + jnp.dot(xx, wdir[M:, :], preferred_element_type=f32)
                    + bdir_ref[...])


def kernel(x, ei, pos, feat, W0, b0, W1, b1, Wm1, bm1, Wm2, bm2,
           Wm3, bm3, Wdir, bdir):
    f32 = jnp.float32
    row = ei[0].reshape(NEB, 1, EBLK)
    col = ei[1].reshape(NEB, 1, EBLK)
    iq = jnp.concatenate([pos[:, 0].reshape(NQB, 1, HQB),
                          pos[:, 1].reshape(NQB, 1, HQB)], axis=2)
    jq = jnp.concatenate([pos[:, 1].reshape(NQB, 1, HQB),
                          pos[:, 0].reshape(NQB, 1, HQB)], axis=2)

    full = lambda shp: pl.BlockSpec(shp, lambda *_: tuple(0 for _ in shp))
    ebk = pl.BlockSpec((1, 1, EBLK), lambda e: (e, 0, 0))
    qbk = pl.BlockSpec((1, 1, QBLK), lambda q: (q, 0, 0))

    adjf, adjt, ti, tj, v1, u2, w = pl.pallas_call(
        _k1,
        grid=(NEB,),
        in_specs=[ebk, ebk, full((N, 128)), full((128, M)), full((1, M)),
                  full((M, M)), full((1, M)), full((2 * M, M)), full((1, M)),
                  full((2 * M, M)), full((1, M))],
        out_specs=[full((N, N)), full((N, N)), full((N, TD)), full((N, TD))]
        + [full((N, M))] * 3,
        out_shape=[jax.ShapeDtypeStruct((N, N), jnp.bfloat16)] * 2
        + [jax.ShapeDtypeStruct((N, TD), f32)] * 2
        + [jax.ShapeDtypeStruct((N, M), f32)] * 3,
    )(row, col, feat, W0, b0.reshape(1, M), W1, b1.reshape(1, M),
      Wm1, bm1.reshape(1, M), Wm2, bm2.reshape(1, M))

    sc = functools.partial(
        pl.kernel,
        out_type=[jax.ShapeDtypeStruct((2 * P, TD), f32)] * 2,
        mesh=plsc.VectorSubcoreMesh(core_axis_name="c", subcore_axis_name="s"),
        scratch_types=[pltpu.VMEM((_BPW,), jnp.int32),
                       pltpu.VMEM((_BPW,), jnp.int32),
                       pltpu.VMEM((_BPW, TD), f32),
                       pltpu.VMEM((_BPW, TD), f32),
                       pltpu.SemaphoreType.DMA,
                       pltpu.SemaphoreType.DMA],
    )(_sc_gather)
    gi, gj = sc(ti, tj, iq.reshape(-1), jq.reshape(-1))

    out = pl.pallas_call(
        _k2,
        grid=(NQB,),
        in_specs=[qbk,
                  pl.BlockSpec((QBLK, TD), lambda q: (q, 0)),
                  pl.BlockSpec((QBLK, TD), lambda q: (q, 0))]
        + [full((N, M))] * 3
        + [full((M + 1, M)), full((1, M)), full((2 * M, 1)), full((1, 1))],
        out_specs=pl.BlockSpec((HQB, 1), lambda q: (q, 0)),
        out_shape=jax.ShapeDtypeStruct((P, 1), f32),
    )(jq, gi, gj, v1, u2, w, Wm3, bm3.reshape(1, M),
      Wdir, bdir.reshape(1, 1))
    return out

# --- scband reference (transcript-rebuilt; emitter-appended) ---
"""Pipeline reference for scband-net-17257178595369 (READ-ONLY COPY).

The authoritative reference and input builder live on the scoring server;
editing this copy changes nothing except your own understanding.
"""

import jax, jax.numpy as jnp
import numpy as np

N = 512
E = 8192
P = 4096
D_FEAT = 128
M1 = 20  # latent_size_1wl
M2 = 20  # latent_size_2wl


def setup_inputs(seed: int = 0) -> dict:
    key = jax.random.key(seed)
    ks = jax.random.split(key, 18)
    x = jax.random.normal(ks[0], (N, D_FEAT), dtype=jnp.float32)
    feat = jax.random.normal(ks[1], (N, D_FEAT), dtype=jnp.float32)
    # unique random edges (duplicate (i,j) pairs are collapsed by the scipy csr/lil
    # construction in the original code, so we sample without replacement)
    perm = jax.random.permutation(ks[2], N * N)[:E]
    ei = jnp.stack([perm // N, perm % N]).astype(jnp.int32)
    pos = jax.random.randint(ks[3], (P, 2), 0, N, dtype=jnp.int32)

    def w(k, a, b):
        return jax.random.normal(k, (a, b), dtype=jnp.float32) / np.sqrt(a)

    def bias(k, b):
        return jax.random.normal(k, (b,), dtype=jnp.float32) * 0.1

    W0 = w(ks[4], D_FEAT, M1); b0 = bias(ks[5], M1)      # nconvs[0] GCNConv(128 -> 20)
    W1 = w(ks[6], M1, M1); b1 = bias(ks[7], M1)          # nconvs[1] GCNConv(20 -> 20)
    Wm1 = w(ks[8], 2 * M1, M2); bm1 = bias(ks[9], M2)    # mlps_1 Linear(40 -> 20)
    Wm2 = w(ks[10], 2 * M1, M2); bm2 = bias(ks[11], M2)  # mlps_2[0] Linear(40 -> 20)
    Wm3 = w(ks[12], M2 + 1, M2); bm3 = bias(ks[13], M2)  # mlps_3[0] Linear(21 -> 20)
    Wdir = w(ks[14], M1 + M2, 1); bdir = bias(ks[15], 1) # lin_dir Linear(40 -> 1)
    return {"x": x, "ei": ei, "pos": pos, "feat": feat,
            "W0": W0, "b0": b0, "W1": W1, "b1": b1,
            "Wm1": Wm1, "bm1": bm1, "Wm2": Wm2, "bm2": bm2,
            "Wm3": Wm3, "bm3": bm3, "Wdir": Wdir, "bdir": bdir}


def gcn_conv(h, W, b, row, col, n):
    # torch_geometric GCNConv with add_self_loops + symmetric normalization + bias
    h = h @ W
    loop = jnp.arange(n, dtype=row.dtype)
    row2 = jnp.concatenate([row, loop])
    col2 = jnp.concatenate([col, loop])
    deg = jax.ops.segment_sum(jnp.ones(row2.shape[0], h.dtype), col2, num_segments=n)
    dinv = 1.0 / jnp.sqrt(deg)
    norm = dinv[row2] * dinv[col2]
    out = jax.ops.segment_sum(h[row2] * norm[:, None], col2, num_segments=n)
    return out + b


def reference(x, ei, pos, feat, W0, b0, W1, b1, Wm1, bm1, Wm2, bm2, Wm3, bm3, Wdir, bdir):
    # Faithful dense re-expression of the 2-WL link predictor.
    # Note: the torch forward ignores its `x` argument and uses self.feat.
    n = feat.shape[0]
    row, col = ei[0], ei[1]
    # 1-WL stage: two GCNConv layers (ln1/act1/dropout are Identity at defaults)
    h = gcn_conv(feat, W0, b0, row, col, n)
    h = gcn_conv(h, W1, b1, row, col, n)
    xx = h[pos[:, 0]] * h[pos[:, 1]]
    val = jnp.concatenate([h[row], h[col]], axis=1)  # [E, 2*M1]
    e1 = val @ Wm1 + bm1                              # mlps_1
    adj = jnp.zeros((n, n), dtype=bool).at[row, col].set(True)
    # sparse [n,n,M2] tensor held densely; exact structural zeros off-support
    A = jnp.zeros((n, n, M2), jnp.float32).at[row, col].set(e1)
    cur = adj
    for _ in range(1):  # layer2 = 1
        mul = val @ Wm2 + bm2                         # mlps_2[i]
        B = jnp.zeros((n, n, M2), jnp.float32).at[row, col].set(mul)
        # sparse_bmm: per-channel spspmm == batched matmul over channel dim
        Pd = jnp.einsum('ikm,kjm->ijm', A, B)
        # structural support of the product, and sparse_cat's merged support
        suppP = (cur.astype(jnp.float32) @ adj.astype(jnp.float32)) > 0
        union = jnp.logical_or(suppP, adj)
        # sparse_cat(x, edge_index, ones): concat product values with indicator of edge_index
        value = jnp.concatenate([Pd, adj.astype(jnp.float32)[:, :, None]], axis=-1)
        # mlps_3 applied only on merged support (values of the coalesced sparse tensor)
        A = (value @ Wm3 + bm3) * union[:, :, None].astype(jnp.float32)
        cur = union
    # sm = transposed values; x = x * sm  ->  A[i,j] * A[j,i] elementwise
    A = A * jnp.transpose(A, (1, 0, 2))
    # add_zero + edge_list machinery reduces to: gather at pos (zero off-support)
    xf = A[pos[:, 0], pos[:, 1]]
    out = jnp.concatenate([xf, xx], axis=1) @ Wdir + bdir
    return out

if __name__ == "__main__":
    import jax
    _d = setup_inputs()
    print(jax.jit(kernel)(*tuple(_d.values())))

</pallas_src>

<mosaic_0001>
#map = affine_map<(d0, d1) -> (0, 0)>
#map1 = affine_map<(d0, d1) -> (0)>
module attributes {stable_mosaic.version = 14 : i64} {
  func.func @_sc_gather(%arg0: i32, %arg1: i32, %arg2: memref<512x128xf32, #tpu.memory_space<hbm>>, %arg3: memref<512x128xf32, #tpu.memory_space<hbm>>, %arg4: memref<8192xi32, #tpu.memory_space<hbm>>, %arg5: memref<8192xi32, #tpu.memory_space<hbm>>, %arg6: memref<8192x128xf32, #tpu.memory_space<hbm>>, %arg7: memref<8192x128xf32, #tpu.memory_space<hbm>>, %arg8: memref<256xi32, #tpu.memory_space<vmem>>, %arg9: memref<256xi32, #tpu.memory_space<vmem>>, %arg10: memref<256x128xf32, #tpu.memory_space<vmem>>, %arg11: memref<256x128xf32, #tpu.memory_space<vmem>>, %arg12: memref<!tpu.dma_semaphore, #tpu.memory_space<semaphore_mem>>, %arg13: memref<!tpu.dma_semaphore, #tpu.memory_space<semaphore_mem>>) attributes {dimension_semantics = [#tpu.dimension_semantics<core_parallel>, #tpu.dimension_semantics<subcore_parallel>], iteration_bounds = array<i64: 2, 16>, scalar_prefetch = 0 : i64, scratch_operands = 6 : i64, tpu.core_type = #tpu.core_type<sc_vector_subcore>, window_params = [{transform_indices = #map}, {transform_indices = #map}, {transform_indices = #map1}, {transform_indices = #map1}, {transform_indices = #map}, {transform_indices = #map}]} {
    %mul3A = arith.constant 2 : i32
    %mul3A_0 = arith.muli %arg1, %mul3A : i32
    %add3A = arith.addi %mul3A_0, %arg0 : i32
    %mul3A_1 = arith.constant 256 : i32
    %mul3A_2 = arith.muli %add3A, %mul3A_1 : i32
    "tpu.region"() ({
      %run_scoped3A = tpu.sem_alloc : memref<!tpu.dma_semaphore, #tpu.memory_space<semaphore_mem>>
      %dma_start3A_13 = tpu.memref_slice %arg4[%mul3A_2] : memref<8192xi32, #tpu.memory_space<hbm>> -> memref<256xi32, #tpu.memory_space<hbm>>
      %dma_start3A_14 = tpu.memref_slice %arg4[%mul3A_2] : memref<8192xi32, #tpu.memory_space<hbm>> -> memref<256xi32, #tpu.memory_space<hbm>>
      tpu.enqueue_dma source(%dma_start3A_14 : memref<256xi32, #tpu.memory_space<hbm>>) target(%arg8 : memref<256xi32, #tpu.memory_space<vmem>>) target_semaphore(%run_scoped3A : memref<!tpu.dma_semaphore, #tpu.memory_space<semaphore_mem>>)
      %dma_wait3A_15 = tpu.memref_slice %arg4[%mul3A_2] : memref<8192xi32, #tpu.memory_space<hbm>> -> memref<256xi32, #tpu.memory_space<hbm>>
      %dma_wait3A_16 = tpu.memref_slice %arg4[%mul3A_2] : memref<8192xi32, #tpu.memory_space<hbm>> -> memref<256xi32, #tpu.memory_space<hbm>>
      tpu.wait_dma2 semaphore(%run_scoped3A : memref<!tpu.dma_semaphore, #tpu.memory_space<semaphore_mem>>) src(%dma_wait3A_16 : memref<256xi32, #tpu.memory_space<hbm>>) dst(%arg8 : memref<256xi32, #tpu.memory_space<vmem>>)
      tpu.yield
    }) : () -> ()
    "tpu.region"() ({
      %run_scoped3A = tpu.sem_alloc : memref<!tpu.dma_semaphore, #tpu.memory_space<semaphore_mem>>
      %dma_start3A_13 = tpu.memref_slice %arg5[%mul3A_2] : memref<8192xi32, #tpu.memory_space<hbm>> -> memref<256xi32, #tpu.memory_space<hbm>>
      %dma_start3A_14 = tpu.memref_slice %arg5[%mul3A_2] : memref<8192xi32, #tpu.memory_space<hbm>> -> memref<256xi32, #tpu.memory_space<hbm>>
      tpu.enqueue_dma source(%dma_start3A_14 : memref<256xi32, #tpu.memory_space<hbm>>) target(%arg9 : memref<256xi32, #tpu.memory_space<vmem>>) target_semaphore(%run_scoped3A : memref<!tpu.dma_semaphore, #tpu.memory_space<semaphore_mem>>)
      %dma_wait3A_15 = tpu.memref_slice %arg5[%mul3A_2] : memref<8192xi32, #tpu.memory_space<hbm>> -> memref<256xi32, #tpu.memory_space<hbm>>
      %dma_wait3A_16 = tpu.memref_slice %arg5[%mul3A_2] : memref<8192xi32, #tpu.memory_space<hbm>> -> memref<256xi32, #tpu.memory_space<hbm>>
      tpu.wait_dma2 semaphore(%run_scoped3A : memref<!tpu.dma_semaphore, #tpu.memory_space<semaphore_mem>>) src(%dma_wait3A_16 : memref<256xi32, #tpu.memory_space<hbm>>) dst(%arg9 : memref<256xi32, #tpu.memory_space<vmem>>)
      tpu.yield
    }) : () -> ()
    %dma_start3A = arith.constant 0 : i32
    %dma_start3A_3 = arith.constant 0 : i32
    %dma_start3A_4 = tpu.memref_slice %arg2[%dma_start3A, %dma_start3A_3] : memref<512x128xf32, #tpu.memory_space<hbm>> -> memref<512x128xf32, #tpu.memory_space<hbm>>
    tpu.enqueue_indirect_dma source(%dma_start3A_4 : memref<512x128xf32, #tpu.memory_space<hbm>>) target(%arg10 : memref<256x128xf32, #tpu.memory_space<vmem>>) offsets(%arg8 : memref<256xi32, #tpu.memory_space<vmem>>) semaphore(%arg12 : memref<!tpu.dma_semaphore, #tpu.memory_space<semaphore_mem>>)
    %dma_start3A_5 = arith.constant 0 : i32
    %dma_start3A_6 = arith.constant 0 : i32
    %dma_start3A_7 = tpu.memref_slice %arg3[%dma_start3A_5, %dma_start3A_6] : memref<512x128xf32, #tpu.memory_space<hbm>> -> memref<512x128xf32, #tpu.memory_space<hbm>>
    tpu.enqueue_indirect_dma source(%dma_start3A_7 : memref<512x128xf32, #tpu.memory_space<hbm>>) target(%arg11 : memref<256x128xf32, #tpu.memory_space<vmem>>) offsets(%arg9 : memref<256xi32, #tpu.memory_space<vmem>>) semaphore(%arg13 : memref<!tpu.dma_semaphore, #tpu.memory_space<semaphore_mem>>)
    %dma_wait3A = arith.constant 0 : i32
    %dma_wait3A_8 = arith.constant 0 : i32
    %dma_wait3A_9 = tpu.memref_slice %arg2[%dma_wait3A, %dma_wait3A_8] : memref<512x128xf32, #tpu.memory_space<hbm>> -> memref<512x128xf32, #tpu.memory_space<hbm>>
    tpu.wait_indirect_dma semaphore(%arg12 : memref<!tpu.dma_semaphore, #tpu.memory_space<semaphore_mem>>) src(%dma_wait3A_9 : memref<512x128xf32, #tpu.memory_space<hbm>>) dst(%arg10 : memref<256x128xf32, #tpu.memory_space<vmem>>)
    "tpu.region"() ({
      %run_scoped3A = tpu.sem_alloc : memref<!tpu.dma_semaphore, #tpu.memory_space<semaphore_mem>>
      %dma_start3A_13 = arith.constant 0 : i32
      %dma_start3A_14 = tpu.memref_slice %arg6[%mul3A_2, %dma_start3A_13] : memref<8192x128xf32, #tpu.memory_space<hbm>> -> memref<256x128xf32, #tpu.memory_space<hbm>>
      %dma_start3A_15 = arith.constant 0 : i32
      %dma_start3A_16 = tpu.memref_slice %arg6[%mul3A_2, %dma_start3A_15] : memref<8192x128xf32, #tpu.memory_space<hbm>> -> memref<256x128xf32, #tpu.memory_space<hbm>>
      tpu.enqueue_dma source(%arg10 : memref<256x128xf32, #tpu.memory_space<vmem>>) target(%dma_start3A_16 : memref<256x128xf32, #tpu.memory_space<hbm>>) target_semaphore(%run_scoped3A : memref<!tpu.dma_semaphore, #tpu.memory_space<semaphore_mem>>)
      %dma_wait3A_17 = arith.constant 0 : i32
      %dma_wait3A_18 = tpu.memref_slice %arg6[%mul3A_2, %dma_wait3A_17] : memref<8192x128xf32, #tpu.memory_space<hbm>> -> memref<256x128xf32, #tpu.memory_space<hbm>>
      %dma_wait3A_19 = arith.constant 0 : i32
      %dma_wait3A_20 = tpu.memref_slice %arg6[%mul3A_2, %dma_wait3A_19] : memref<8192x128xf32, #tpu.memory_space<hbm>> -> memref<256x128xf32, #tpu.memory_space<hbm>>
      tpu.wait_dma2 semaphore(%run_scoped3A : memref<!tpu.dma_semaphore, #tpu.memory_space<semaphore_mem>>) src(%arg10 : memref<256x128xf32, #tpu.memory_space<vmem>>) dst(%dma_wait3A_20 : memref<256x128xf32, #tpu.memory_space<hbm>>)
      tpu.yield
    }) : () -> ()
    %dma_wait3A_10 = arith.constant 0 : i32
    %dma_wait3A_11 = arith.constant 0 : i32
    %dma_wait3A_12 = tpu.memref_slice %arg3[%dma_wait3A_10, %dma_wait3A_11] : memref<512x128xf32, #tpu.memory_space<hbm>> -> memref<512x128xf32, #tpu.memory_space<hbm>>
    tpu.wait_indirect_dma semaphore(%arg13 : memref<!tpu.dma_semaphore, #tpu.memory_space<semaphore_mem>>) src(%dma_wait3A_12 : memref<512x128xf32, #tpu.memory_space<hbm>>) dst(%arg11 : memref<256x128xf32, #tpu.memory_space<vmem>>)
    "tpu.region"() ({
      %run_scoped3A = tpu.sem_alloc : memref<!tpu.dma_semaphore, #tpu.memory_space<semaphore_mem>>
      %dma_start3A_13 = arith.constant 0 : i32
      %dma_start3A_14 = tpu.memref_slice %arg7[%mul3A_2, %dma_start3A_13] : memref<8192x128xf32, #tpu.memory_space<hbm>> -> memref<256x128xf32, #tpu.memory_space<hbm>>
      %dma_start3A_15 = arith.constant 0 : i32
      %dma_start3A_16 = tpu.memref_slice %arg7[%mul3A_2, %dma_start3A_15] : memref<8192x128xf32, #tpu.memory_space<hbm>> -> memref<256x128xf32, #tpu.memory_space<hbm>>
      tpu.enqueue_dma source(%arg11 : memref<256x128xf32, #tpu.memory_space<vmem>>) target(%dma_start3A_16 : memref<256x128xf32, #tpu.memory_space<hbm>>) target_semaphore(%run_scoped3A : memref<!tpu.dma_semaphore, #tpu.memory_space<semaphore_mem>>)
      %dma_wait3A_17 = arith.constant 0 : i32
      %dma_wait3A_18 = tpu.memref_slice %arg7[%mul3A_2, %dma_wait3A_17] : memref<8192x128xf32, #tpu.memory_space<hbm>> -> memref<256x128xf32, #tpu.memory_space<hbm>>
      %dma_wait3A_19 = arith.constant 0 : i32
      %dma_wait3A_20 = tpu.memref_slice %arg7[%mul3A_2, %dma_wait3A_19] : memref<8192x128xf32, #tpu.memory_space<hbm>> -> memref<256x128xf32, #tpu.memory_space<hbm>>
      tpu.wait_dma2 semaphore(%run_scoped3A : memref<!tpu.dma_semaphore, #tpu.memory_space<semaphore_mem>>) src(%arg11 : memref<256x128xf32, #tpu.memory_space<vmem>>) dst(%dma_wait3A_20 : memref<256x128xf32, #tpu.memory_space<hbm>>)
      tpu.yield
    }) : () -> ()
    return
  }
}

module attributes {stable_mosaic.version = 14 : i64} {
  func.func @_k1(%arg0: i32, %arg1: memref<1x1x4096xi32, #tpu.memory_space<vmem>>, %arg2: memref<1x1x4096xi32, #tpu.memory_space<vmem>>, %arg3: memref<512x128xf32, #tpu.memory_space<vmem>>, %arg4: memref<128x20xf32, #tpu.memory_space<vmem>>, %arg5: memref<1x20xf32, #tpu.memory_space<vmem>>, %arg6: memref<20x20xf32, #tpu.memory_space<vmem>>, %arg7: memref<1x20xf32, #tpu.memory_space<vmem>>, %arg8: memref<40x20xf32, #tpu.memory_space<vmem>>, %arg9: memref<1x20xf32, #tpu.memory_space<vmem>>, %arg10: memref<40x20xf32, #tpu.memory_space<vmem>>, %arg11: memref<1x20xf32, #tpu.memory_space<vmem>>, %arg12: memref<512x512xbf16, #tpu.memory_space<vmem>>, %arg13: memref<512x512xbf16, #tpu.memory_space<vmem>>, %arg14: memref<512x128xf32, #tpu.memory_space<vmem>>, %arg15: memref<512x128xf32, #tpu.memory_space<vmem>>, %arg16: memref<512x20xf32, #tpu.memory_space<vmem>>, %arg17: memref<512x20xf32, #tpu.memory_space<vmem>>, %arg18: memref<512x20xf32, #tpu.memory_space<vmem>>) attributes {dimension_semantics = [#tpu.dimension_semantics<arbitrary>], iteration_bounds = array<i64: 2>, scalar_prefetch = 0 : i64, scratch_operands = 0 : i64, tpu.core_type = #tpu.core_type<tc>, window_params = [{transform_indices = @transform_0, window_bounds = array<i64: 1, 1, 4096>}, {transform_indices = @transform_1, window_bounds = array<i64: 1, 1, 4096>}, {pipeline_mode = #tpu.pipeline_mode<synchronous>, transform_indices = @transform_2, window_bounds = array<i64: 512, 128>}, {pipeline_mode = #tpu.pipeline_mode<synchronous>, transform_indices = @transform_3, window_bounds = array<i64: 128, 20>}, {pipeline_mode = #tpu.pipeline_mode<synchronous>, transform_indices = @transform_4, window_bounds = array<i64: 1, 20>}, {pipeline_mode = #tpu.pipeline_mode<synchronous>, transform_indices = @transform_5, window_bounds = array<i64: 20, 20>}, {pipeline_mode = #tpu.pipeline_mode<synchronous>, transform_indices = @transform_6, window_bounds = array<i64: 1, 20>}, {pipeline_mode = #tpu.pipeline_mode<synchronous>, transform_indices = @transform_7, window_bounds = array<i64: 40, 20>}, {pipeline_mode = #tpu.pipeline_mode<synchronous>, transform_indices = @transform_8, window_bounds = array<i64: 1, 20>}, {pipeline_mode = #tpu.pipeline_mode<synchronous>, transform_indices = @transform_9, window_bounds = array<i64: 40, 20>}, {pipeline_mode = #tpu.pipeline_mode<synchronous>, transform_indices = @transform_10, window_bounds = array<i64: 1, 20>}, {pipeline_mode = #tpu.pipeline_mode<synchronous>, transform_indices = @transform_11, window_bounds = array<i64: 512, 512>}, {pipeline_mode = #tpu.pipeline_mode<synchronous>, transform_indices = @transform_12, window_bounds = array<i64: 512, 512>}, {pipeline_mode = #tpu.pipeline_mode<synchronous>, transform_indices = @transform_13, window_bounds = array<i64: 512, 128>}, {pipeline_mode = #tpu.pipeline_mode<synchronous>, transform_indices = @transform_14, window_bounds = array<i64: 512, 128>}, {pipeline_mode = #tpu.pipeline_mode<synchronous>, transform_indices = @transform_15, window_bounds = array<i64: 512, 20>}, {pipeline_mode = #tpu.pipeline_mode<synchronous>, transform_indices = @transform_16, window_bounds = array<i64: 512, 20>}, {pipeline_mode = #tpu.pipeline_mode<synchronous>, transform_indices = @transform_17, window_bounds = array<i64: 512, 20>}]} {
    %get3A = arith.constant 0 : index
    %get3A_0 = arith.constant 0 : index
    %get3A_1 = arith.constant 0 : index
    %get3A_2 = vector.load %arg1[%get3A, %get3A_0, %get3A_1] : memref<1x1x4096xi32, #tpu.memory_space<vmem>>, vector<1x1x4096xi32>
    %get3A_3 = vector.shape_cast %get3A_2 : vector<1x1x4096xi32> to vector<4096xi32>
    %get3A_4 = arith.constant 0 : index
    %get3A_5 = arith.constant 0 : index
    %get3A_6 = arith.constant 0 : index
    %get3A_7 = vector.load %arg2[%get3A_4, %get3A_5, %get3A_6] : memref<1x1x4096xi32, #tpu.memory_space<vmem>>, vector<1x1x4096xi32>
    %get3A_8 = vector.shape_cast %get3A_7 : vector<1x1x4096xi32> to vector<4096xi32>
    %iota3A = tpu.iota {dimensions = array<i32: 1>} : vector<4096x512xi32>
    %broadcast_in_dim3A = vector.shape_cast %get3A_3 : vector<4096xi32> to vector<4096x1xi32>
    %eq3A = vector.broadcast %broadcast_in_dim3A : vector<4096x1xi32> to vector<4096x512xi32>
    %eq3A_9 = arith.cmpi eq, %eq3A, %iota3A : vector<4096x512xi32>
    %convert_element_type3A = arith.extui %eq3A_9 : vector<4096x512xi1> to vector<4096x512xi32>
    %convert_element_type3A_10 = arith.sitofp %convert_element_type3A : vector<4096x512xi32> to vector<4096x512xf32>
    %convert_element_type3A_11 = arith.truncf %convert_element_type3A_10 : vector<4096x512xf32> to vector<4096x512xbf16>
    %broadcast_in_dim3A_12 = vector.shape_cast %get3A_8 : vector<4096xi32> to vector<4096x1xi32>
    %eq3A_13 = vector.broadcast %broadcast_in_dim3A_12 : vector<4096x1xi32> to vector<4096x512xi32>
    %eq3A_14 = arith.cmpi eq, %eq3A_13, %iota3A : vector<4096x512xi32>
    %convert_element_type3A_15 = arith.extui %eq3A_14 : vector<4096x512xi1> to vector<4096x512xi32>
    %convert_element_type3A_16 = arith.sitofp %convert_element_type3A_15 : vector<4096x512xi32> to vector<4096x512xf32>
    %convert_element_type3A_17 = arith.truncf %convert_element_type3A_16 : vector<4096x512xf32> to vector<4096x512xbf16>
    %dot_general3A = arith.constant dense<0.000000e+00> : vector<512x512xf32>
    %dot_general3A_18 = tpu.matmul %convert_element_type3A_11, %convert_element_type3A_17, %dot_general3A {dimension_numbers = #tpu.dot_dimension_numbers<[0], [0], [1], [1], [0, 1, 1, 1], [], []>, transpose_lhs_hint = false} : vector<4096x512xbf16>, vector<4096x512xbf16>, vector<512x512xf32> -> vector<512x512xf32>
    %convert_element_type3A_19 = arith.truncf %dot_general3A_18 : vector<512x512xf32> to vector<512x512xbf16>
    %dot_general3A_20 = arith.constant dense<0.000000e+00> : vector<512x512xf32>
    %dot_general3A_21 = tpu.matmul %convert_element_type3A_17, %convert_element_type3A_11, %dot_general3A_20 {dimension_numbers = #tpu.dot_dimension_numbers<[0], [0], [1], [1], [0, 1, 1, 1], [], []>, transpose_lhs_hint = false} : vector<4096x512xbf16>, vector<4096x512xbf16>, vector<512x512xf32> -> vector<512x512xf32>
    %convert_element_type3A_22 = arith.truncf %dot_general3A_21 : vector<512x512xf32> to vector<512x512xbf16>
    %eq3A_23 = arith.constant 0 : i32
    %eq3A_24 = arith.cmpi eq, %arg0, %eq3A_23 : i32
    %convert_element_type3A_25 = arith.extui %eq3A_24 : i1 to i32
    %cond3A = arith.constant 0 : i32
    %cond3A_26 = arith.cmpi ne, %convert_element_type3A_25, %cond3A : i32
    scf.if %cond3A_26 {
      %swap3A = arith.constant 0 : index
      %swap3A_36 = arith.constant 0 : index
      %swap3A_37 = vector.load %arg12[%swap3A, %swap3A_36] : memref<512x512xbf16, #tpu.memory_space<vmem>>, vector<512x512xbf16>
      tpu.vector_store %arg12[%swap3A, %swap3A_36], %convert_element_type3A_19 {strides = array<i32>} : memref<512x512xbf16, #tpu.memory_space<vmem>>, vector<512x512xbf16>,
      %swap3A_38 = arith.constant 0 : index
      %swap3A_39 = arith.constant 0 : index
      %swap3A_40 = vector.load %arg13[%swap3A_38, %swap3A_39] : memref<512x512xbf16, #tpu.memory_space<vmem>>, vector<512x512xbf16>
      tpu.vector_store %arg13[%swap3A_38, %swap3A_39], %convert_element_type3A_22 {strides = array<i32>} : memref<512x512xbf16, #tpu.memory_space<vmem>>, vector<512x512xbf16>,
    } else {
    }
    %gt3A = arith.constant 0 : i32
    %gt3A_27 = arith.cmpi sgt, %arg0, %gt3A : i32
    %convert_element_type3A_28 = arith.extui %gt3A_27 : i1 to i32
    %cond3A_29 = arith.constant 0 : i32
    %cond3A_30 = arith.cmpi ne, %convert_element_type3A_28, %cond3A_29 : i32
    scf.if %cond3A_30 {
      %get3A_36 = arith.constant 0 : index
      %get3A_37 = arith.constant 0 : index
      %get3A_38 = vector.load %arg12[%get3A_36, %get3A_37] : memref<512x512xbf16, #tpu.memory_space<vmem>>, vector<512x512xbf16>
      %add3A = arith.addf %get3A_38, %convert_element_type3A_19 : vector<512x512xbf16>
      %swap3A = arith.constant 0 : index
      %swap3A_39 = arith.constant 0 : index
      %swap3A_40 = vector.load %arg12[%swap3A, %swap3A_39] : memref<512x512xbf16, #tpu.memory_space<vmem>>, vector<512x512xbf16>
      tpu.vector_store %arg12[%swap3A, %swap3A_39], %add3A {strides = array<i32>} : memref<512x512xbf16, #tpu.memory_space<vmem>>, vector<512x512xbf16>,
      %get3A_41 = arith.constant 0 : index
      %get3A_42 = arith.constant 0 : index
      %get3A_43 = vector.load %arg13[%get3A_41, %get3A_42] : memref<512x512xbf16, #tpu.memory_space<vmem>>, vector<512x512xbf16>
      %add3A_44 = arith.addf %get3A_43, %convert_element_type3A_22 : vector<512x512xbf16>
      %swap3A_45 = arith.constant 0 : index
      %swap3A_46 = arith.constant 0 : index
      %swap3A_47 = vector.load %arg13[%swap3A_45, %swap3A_46] : memref<512x512xbf16, #tpu.memory_space<vmem>>, vector<512x512xbf16>
      tpu.vector_store %arg13[%swap3A_45, %swap3A_46], %add3A_44 {strides = array<i32>} : memref<512x512xbf16, #tpu.memory_space<vmem>>, vector<512x512xbf16>,
    } else {
    }
    %eq3A_31 = arith.constant 1 : i32
    %eq3A_32 = arith.cmpi eq, %arg0, %eq3A_31 : i32
    %convert_element_type3A_33 = arith.extui %eq3A_32 : i1 to i32
    %cond3A_34 = arith.constant 0 : i32
    %cond3A_35 = arith.cmpi ne, %convert_element_type3A_33, %cond3A_34 : i32
    scf.if %cond3A_35 {
      %get3A_36 = arith.constant 0 : index
      %get3A_37 = arith.constant 0 : index
      %get3A_38 = vector.load %arg13[%get3A_36, %get3A_37] : memref<512x512xbf16, #tpu.memory_space<vmem>>, vector<512x512xbf16>
      %convert_element_type3A_39 = arith.extf %get3A_38 : vector<512x512xbf16> to vector<512x512xf32>
      %reduce_sum3A = arith.constant dense<0.000000e+00> : vector<512xf32>
      %reduce_sum3A_40 = vector.multi_reduction <add>, %convert_element_type3A_39, %reduce_sum3A [1] : vector<512x512xf32> to vector<512xf32>
      %add3A = arith.constant 1.000000e+00 : f32
      %add3A_41 = vector.broadcast %add3A : f32 to vector<512xf32>
      %add3A_42 = arith.addf %reduce_sum3A_40, %add3A_41 : vector<512xf32>
      %sqrt3A = math.sqrt %add3A_42 : vector<512xf32>
      %div3A = arith.constant 1.000000e+00 : f32
      %div3A_43 = vector.broadcast %div3A : f32 to vector<512xf32>
      %div3A_44 = arith.divf %div3A_43, %sqrt3A : vector<512xf32>
      %iota3A_45 = tpu.iota {dimensions = array<i32: 0>} : vector<512x512xi32>
      %iota3A_46 = tpu.iota {dimensions = array<i32: 1>} : vector<512x512xi32>
      %eq3A_47 = arith.cmpi eq, %iota3A_45, %iota3A_46 : vector<512x512xi32>
      %convert_element_type3A_48 = arith.extui %eq3A_47 : vector<512x512xi1> to vector<512x512xi32>
      %convert_element_type3A_49 = arith.sitofp %convert_element_type3A_48 : vector<512x512xi32> to vector<512x512xf32>
      %add3A_50 = arith.addf %convert_element_type3A_39, %convert_element_type3A_49 : vector<512x512xf32>
      %broadcast_in_dim3A_51 = vector.shape_cast %div3A_44 : vector<512xf32> to vector<512x1xf32>
      %broadcast_in_dim3A_52 = vector.shape_cast %div3A_44 : vector<512xf32> to vector<1x512xf32>
      %mul3A = vector.broadcast %broadcast_in_dim3A_51 : vector<512x1xf32> to vector<512x512xf32>
      %mul3A_53 = vector.broadcast %broadcast_in_dim3A_52 : vector<1x512xf32> to vector<512x512xf32>
      %mul3A_54 = arith.mulf %mul3A, %mul3A_53 : vector<512x512xf32>
      %mul3A_55 = arith.mulf %add3A_50, %mul3A_54 : vector<512x512xf32>
      %get3A_56 = arith.constant 0 : index
      %get3A_57 = arith.constant 0 : index
      %get3A_58 = vector.load %arg3[%get3A_56, %get3A_57] : memref<512x128xf32, #tpu.memory_space<vmem>>, vector<512x128xf32>
      %get3A_59 = arith.constant 0 : index
      %get3A_60 = arith.constant 0 : index
      %get3A_61 = vector.load %arg4[%get3A_59, %get3A_60] : memref<128x20xf32, #tpu.memory_space<vmem>>, vector<128x20xf32>
      %dot_general3A_62 = arith.constant dense<0.000000e+00> : vector<512x20xf32>
      %dot_general3A_63 = tpu.matmul %get3A_58, %get3A_61, %dot_general3A_62 {dimension_numbers = #tpu.dot_dimension_numbers<[1], [0], [0], [1], [0, 0, 1, 1], [], []>, transpose_lhs_hint = false} : vector<512x128xf32>, vector<128x20xf32>, vector<512x20xf32> -> vector<512x20xf32>
      %dot_general3A_64 = arith.constant dense<0.000000e+00> : vector<512x20xf32>
      %dot_general3A_65 = tpu.matmul %mul3A_55, %dot_general3A_63, %dot_general3A_64 {dimension_numbers = #tpu.dot_dimension_numbers<[1], [0], [0], [1], [0, 0, 1, 1], [], []>, transpose_lhs_hint = false} : vector<512x512xf32>, vector<512x20xf32>, vector<512x20xf32> -> vector<512x20xf32>
      %get3A_66 = arith.constant 0 : index
      %get3A_67 = arith.constant 0 : index
      %get3A_68 = vector.load %arg5[%get3A_66, %get3A_67] : memref<1x20xf32, #tpu.memory_space<vmem>>, vector<1x20xf32>
      %add3A_69 = vector.broadcast %get3A_68 : vector<1x20xf32> to vector<512x20xf32>
      %add3A_70 = arith.addf %dot_general3A_65, %add3A_69 : vector<512x20xf32>
      %get3A_71 = arith.constant 0 : index
      %get3A_72 = arith.constant 0 : index
      %get3A_73 = vector.load %arg6[%get3A_71, %get3A_72] : memref<20x20xf32, #tpu.memory_space<vmem>>, vector<20x20xf32>
      %dot_general3A_74 = arith.constant dense<0.000000e+00> : vector<512x20xf32>
      %dot_general3A_75 = tpu.matmul %add3A_70, %get3A_73, %dot_general3A_74 {dimension_numbers = #tpu.dot_dimension_numbers<[1], [0], [0], [1], [0, 0, 1, 1], [], []>, transpose_lhs_hint = false} : vector<512x20xf32>, vector<20x20xf32>, vector<512x20xf32> -> vector<512x20xf32>
      %dot_general3A_76 = arith.constant dense<0.000000e+00> : vector<512x20xf32>
      %dot_general3A_77 = tpu.matmul %mul3A_55, %dot_general3A_75, %dot_general3A_76 {dimension_numbers = #tpu.dot_dimension_numbers<[1], [0], [0], [1], [0, 0, 1, 1], [], []>, transpose_lhs_hint = false} : vector<512x512xf32>, vector<512x20xf32>, vector<512x20xf32> -> vector<512x20xf32>
      %get3A_78 = arith.constant 0 : index
      %get3A_79 = arith.constant 0 : index
      %get3A_80 = vector.load %arg7[%get3A_78, %get3A_79] : memref<1x20xf32, #tpu.memory_space<vmem>>, vector<1x20xf32>
      %add3A_81 = vector.broadcast %get3A_80 : vector<1x20xf32> to vector<512x20xf32>
      %add3A_82 = arith.addf %dot_general3A_77, %add3A_81 : vector<512x20xf32>
      %get3A_83 = arith.constant 0 : index
      %get3A_84 = arith.constant 0 : index
      %get3A_85 = vector.load %arg8[%get3A_83, %get3A_84] : memref<40x20xf32, #tpu.memory_space<vmem>>, vector<40x20xf32>
      %get3A_86 = arith.constant 0 : index
      %get3A_87 = arith.constant 0 : index
      %get3A_88 = vector.load %arg10[%get3A_86, %get3A_87] : memref<40x20xf32, #tpu.memory_space<vmem>>, vector<40x20xf32>
      %slice3A = vector.extract_strided_slice %get3A_85 {offsets = [0, 0], sizes = [20, 20], strides = [1, 1]} : vector<40x20xf32> to vector<20x20xf32>
      %dot_general3A_89 = arith.constant dense<0.000000e+00> : vector<512x20xf32>
      %dot_general3A_90 = tpu.matmul %add3A_82, %slice3A, %dot_general3A_89 {dimension_numbers = #tpu.dot_dimension_numbers<[1], [0], [0], [1], [0, 0, 1, 1], [], []>, transpose_lhs_hint = false} : vector<512x20xf32>, vector<20x20xf32>, vector<512x20xf32> -> vector<512x20xf32>
      %get3A_91 = arith.constant 0 : index
      %get3A_92 = arith.constant 0 : index
      %get3A_93 = vector.load %arg9[%get3A_91, %get3A_92] : memref<1x20xf32, #tpu.memory_space<vmem>>, vector<1x20xf32>
      %add3A_94 = vector.broadcast %get3A_93 : vector<1x20xf32> to vector<512x20xf32>
      %add3A_95 = arith.addf %dot_general3A_90, %add3A_94 : vector<512x20xf32>
      %slice3A_96 = vector.extract_strided_slice %get3A_85 {offsets = [20, 0], sizes = [20, 20], strides = [1, 1]} : vector<40x20xf32> to vector<20x20xf32>
      %dot_general3A_97 = arith.constant dense<0.000000e+00> : vector<512x20xf32>
      %dot_general3A_98 = tpu.matmul %add3A_82, %slice3A_96, %dot_general3A_97 {dimension_numbers = #tpu.dot_dimension_numbers<[1], [0], [0], [1], [0, 0, 1, 1], [], []>, transpose_lhs_hint = false} : vector<512x20xf32>, vector<20x20xf32>, vector<512x20xf32> -> vector<512x20xf32>
      %slice3A_99 = vector.extract_strided_slice %get3A_88 {offsets = [0, 0], sizes = [20, 20], strides = [1, 1]} : vector<40x20xf32> to vector<20x20xf32>
      %dot_general3A_100 = arith.constant dense<0.000000e+00> : vector<512x20xf32>
      %dot_general3A_101 = tpu.matmul %add3A_82, %slice3A_99, %dot_general3A_100 {dimension_numbers = #tpu.dot_dimension_numbers<[1], [0], [0], [1], [0, 0, 1, 1], [], []>, transpose_lhs_hint = false} : vector<512x20xf32>, vector<20x20xf32>, vector<512x20xf32> -> vector<512x20xf32>
      %slice3A_102 = vector.extract_strided_slice %get3A_88 {offsets = [20, 0], sizes = [20, 20], strides = [1, 1]} : vector<40x20xf32> to vector<20x20xf32>
      %dot_general3A_103 = arith.constant dense<0.000000e+00> : vector<512x20xf32>
      %dot_general3A_104 = tpu.matmul %add3A_82, %slice3A_102, %dot_general3A_103 {dimension_numbers = #tpu.dot_dimension_numbers<[1], [0], [0], [1], [0, 0, 1, 1], [], []>, transpose_lhs_hint = false} : vector<512x20xf32>, vector<20x20xf32>, vector<512x20xf32> -> vector<512x20xf32>
      %get3A_105 = arith.constant 0 : index
      %get3A_106 = arith.constant 0 : index
      %get3A_107 = vector.load %arg11[%get3A_105, %get3A_106] : memref<1x20xf32, #tpu.memory_space<vmem>>, vector<1x20xf32>
      %add3A_108 = vector.broadcast %get3A_107 : vector<1x20xf32> to vector<512x20xf32>
      %add3A_109 = arith.addf %dot_general3A_104, %add3A_108 : vector<512x20xf32>
      %swap3A = arith.constant 0 : index
      %swap3A_110 = arith.constant 0 : index
      %swap3A_111 = vector.load %arg16[%swap3A, %swap3A_110] : memref<512x20xf32, #tpu.memory_space<vmem>>, vector<512x20xf32>
      tpu.vector_store %arg16[%swap3A, %swap3A_110], %dot_general3A_98 {strides = array<i32>} : memref<512x20xf32, #tpu.memory_space<vmem>>, vector<512x20xf32>,
      %swap3A_112 = arith.constant 0 : index
      %swap3A_113 = arith.constant 0 : index
      %swap3A_114 = vector.load %arg17[%swap3A_112, %swap3A_113] : memref<512x20xf32, #tpu.memory_space<vmem>>, vector<512x20xf32>
      tpu.vector_store %arg17[%swap3A_112, %swap3A_113], %dot_general3A_101 {strides = array<i32>} : memref<512x20xf32, #tpu.memory_space<vmem>>, vector<512x20xf32>,
      %mul3A_115 = arith.mulf %dot_general3A_98, %dot_general3A_101 : vector<512x20xf32>
      %swap3A_116 = arith.constant 0 : index
      %swap3A_117 = arith.constant 0 : index
      %swap3A_118 = vector.load %arg18[%swap3A_116, %swap3A_117] : memref<512x20xf32, #tpu.memory_space<vmem>>, vector<512x20xf32>
      tpu.vector_store %arg18[%swap3A_116, %swap3A_117], %mul3A_115 {strides = array<i32>} : memref<512x20xf32, #tpu.memory_space<vmem>>, vector<512x20xf32>,
      %iota3A_119 = tpu.iota {dimensions = array<i32: 0>} : vector<512x64xi32>
      %iota3A_120 = tpu.iota {dimensions = array<i32: 1>} : vector<512x64xi32>
      %shift_right_arithmetic3A = arith.constant 3 : i32
      %shift_right_arithmetic3A_121 = vector.broadcast %shift_right_arithmetic3A : i32 to vector<512x64xi32>
      %shift_right_arithmetic3A_122 = arith.shrsi %iota3A_119, %shift_right_arithmetic3A_121 : vector<512x64xi32>
      %eq3A_123 = arith.cmpi eq, %shift_right_arithmetic3A_122, %iota3A_120 : vector<512x64xi32>
      %and3A = arith.constant 7 : i32
      %and3A_124 = vector.broadcast %and3A : i32 to vector<512x64xi32>
      %and3A_125 = arith.andi %iota3A_119, %and3A_124 : vector<512x64xi32>
      %shift_left3A = arith.constant 1 : i32
      %shift_left3A_126 = vector.broadcast %shift_left3A : i32 to vector<512x64xi32>
      %shift_left3A_127 = arith.shli %shift_left3A_126, %and3A_125 : vector<512x64xi32>
      %jit3A = arith.constant 0 : i32
      %broadcast_in_dim3A_128 = vector.broadcast %jit3A : i32 to vector<512x64xi32>
      %select_n3A = arith.select %eq3A_123, %shift_left3A_127, %broadcast_in_dim3A_128 : vector<512x64xi1>, vector<512x64xi32>
      %convert_element_type3A_129 = arith.sitofp %select_n3A : vector<512x64xi32> to vector<512x64xf32>
      %get3A_130 = arith.constant 0 : index
      %get3A_131 = arith.constant 0 : index
      %get3A_132 = vector.load %arg12[%get3A_130, %get3A_131] : memref<512x512xbf16, #tpu.memory_space<vmem>>, vector<512x512xbf16>
      %convert_element_type3A_133 = arith.extf %get3A_132 : vector<512x512xbf16> to vector<512x512xf32>
      %dot_general3A_134 = arith.constant dense<0.000000e+00> : vector<512x64xf32>
      %dot_general3A_135 = tpu.matmul %convert_element_type3A_133, %convert_element_type3A_129, %dot_general3A_134 {dimension_numbers = #tpu.dot_dimension_numbers<[1], [0], [0], [1], [0, 0, 1, 1], [], []>, transpose_lhs_hint = false} : vector<512x512xf32>, vector<512x64xf32>, vector<512x64xf32> -> vector<512x64xf32>
      %dot_general3A_136 = arith.constant dense<0.000000e+00> : vector<512x64xf32>
      %dot_general3A_137 = tpu.matmul %convert_element_type3A_39, %convert_element_type3A_129, %dot_general3A_136 {dimension_numbers = #tpu.dot_dimension_numbers<[1], [0], [0], [1], [0, 0, 1, 1], [], []>, transpose_lhs_hint = false} : vector<512x512xf32>, vector<512x64xf32>, vector<512x64xf32> -> vector<512x64xf32>
      %broadcast_in_dim3A_138 = arith.constant 0.000000e+00 : f32
      %broadcast_in_dim3A_139 = vector.broadcast %broadcast_in_dim3A_138 : f32 to vector<512x12xf32>
      %concatenate3A = tpu.concatenate %add3A_95, %broadcast_in_dim3A_139, %add3A_82, %broadcast_in_dim3A_139, %dot_general3A_135 in 1 : vector<512x20xf32>, vector<512x12xf32>, vector<512x20xf32>, vector<512x12xf32>, vector<512x64xf32> -> vector<512x128xf32>
      %swap3A_140 = arith.constant 0 : index
      %swap3A_141 = arith.constant 0 : index
      %swap3A_142 = vector.load %arg14[%swap3A_140, %swap3A_141] : memref<512x128xf32, #tpu.memory_space<vmem>>, vector<512x128xf32>
      tpu.vector_store %arg14[%swap3A_140, %swap3A_141], %concatenate3A {strides = array<i32>} : memref<512x128xf32, #tpu.memory_space<vmem>>, vector<512x128xf32>,
      %concatenate3A_143 = tpu.concatenate %add3A_109, %broadcast_in_dim3A_139, %add3A_82, %broadcast_in_dim3A_139, %dot_general3A_137 in 1 : vector<512x20xf32>, vector<512x12xf32>, vector<512x20xf32>, vector<512x12xf32>, vector<512x64xf32> -> vector<512x128xf32>
      %swap3A_144 = arith.constant 0 : index
      %swap3A_145 = arith.constant 0 : index
      %swap3A_146 = vector.load %arg15[%swap3A_144, %swap3A_145] : memref<512x128xf32, #tpu.memory_space<vmem>>, vector<512x128xf32>
      tpu.vector_store %arg15[%swap3A_144, %swap3A_145], %concatenate3A_143 {strides = array<i32>} : memref<512x128xf32, #tpu.memory_space<vmem>>, vector<512x128xf32>,
    } else {
    }
    return
  }
  func.func @transform_0(%arg0: i32) -> (i32, i32, i32) {
    %c0_i32 = arith.constant 0 : i32
    %c0_i32_0 = arith.constant 0 : i32
    %c0_i32_1 = arith.constant 0 : i32
    return %arg0, %c0_i32, %c0_i32_0 : i32, i32, i32
  }
  func.func @transform_1(%arg0: i32) -> (i32, i32, i32) {
    %c0_i32 = arith.constant 0 : i32
    %c0_i32_0 = arith.constant 0 : i32
    %c0_i32_1 = arith.constant 0 : i32
    return %arg0, %c0_i32, %c0_i32_0 : i32, i32, i32
  }
  func.func @transform_2(%arg0: i32) -> (i32, i32) {
    %c0_i32 = arith.constant 0 : i32
    %c0_i32_0 = arith.constant 0 : i32
    %c0_i32_1 = arith.constant 0 : i32
    return %c0_i32, %c0_i32_0 : i32, i32
  }
  func.func @transform_3(%arg0: i32) -> (i32, i32) {
    %c0_i32 = arith.constant 0 : i32
    %c0_i32_0 = arith.constant 0 : i32
    %c0_i32_1 = arith.constant 0 : i32
    return %c0_i32, %c0_i32_0 : i32, i32
  }
  func.func @transform_4(%arg0: i32) -> (i32, i32) {
    %c0_i32 = arith.constant 0 : i32
    %c0_i32_0 = arith.constant 0 : i32
    %c0_i32_1 = arith.constant 0 : i32
    return %c0_i32, %c0_i32_0 : i32, i32
  }
  func.func @transform_5(%arg0: i32) -> (i32, i32) {
    %c0_i32 = arith.constant 0 : i32
    %c0_i32_0 = arith.constant 0 : i32
    %c0_i32_1 = arith.constant 0 : i32
    return %c0_i32, %c0_i32_0 : i32, i32
  }
  func.func @transform_6(%arg0: i32) -> (i32, i32) {
    %c0_i32 = arith.constant 0 : i32
    %c0_i32_0 = arith.constant 0 : i32
    %c0_i32_1 = arith.constant 0 : i32
    return %c0_i32, %c0_i32_0 : i32, i32
  }
  func.func @transform_7(%arg0: i32) -> (i32, i32) {
    %c0_i32 = arith.constant 0 : i32
    %c0_i32_0 = arith.constant 0 : i32
    %c0_i32_1 = arith.constant 0 : i32
    return %c0_i32, %c0_i32_0 : i32, i32
  }
  func.func @transform_8(%arg0: i32) -> (i32, i32) {
    %c0_i32 = arith.constant 0 : i32
    %c0_i32_0 = arith.constant 0 : i32
    %c0_i32_1 = arith.constant 0 : i32
    return %c0_i32, %c0_i32_0 : i32, i32
  }
  func.func @transform_9(%arg0: i32) -> (i32, i32) {
    %c0_i32 = arith.constant 0 : i32
    %c0_i32_0 = arith.constant 0 : i32
    %c0_i32_1 = arith.constant 0 : i32
    return %c0_i32, %c0_i32_0 : i32, i32
  }
  func.func @transform_10(%arg0: i32) -> (i32, i32) {
    %c0_i32 = arith.constant 0 : i32
    %c0_i32_0 = arith.constant 0 : i32
    %c0_i32_1 = arith.constant 0 : i32
    return %c0_i32, %c0_i32_0 : i32, i32
  }
  func.func @transform_11(%arg0: i32) -> (i32, i32) {
    %c0_i32 = arith.constant 0 : i32
    %c0_i32_0 = arith.constant 0 : i32
    %c0_i32_1 = arith.constant 0 : i32
    return %c0_i32, %c0_i32_0 : i32, i32
  }
  func.func @transform_12(%arg0: i32) -> (i32, i32) {
    %c0_i32 = arith.constant 0 : i32
    %c0_i32_0 = arith.constant 0 : i32
    %c0_i32_1 = arith.constant 0 : i32
    return %c0_i32, %c0_i32_0 : i32, i32
  }
  func.func @transform_13(%arg0: i32) -> (i32, i32) {
    %c0_i32 = arith.constant 0 : i32
    %c0_i32_0 = arith.constant 0 : i32
    %c0_i32_1 = arith.constant 0 : i32
    return %c0_i32, %c0_i32_0 : i32, i32
  }
  func.func @transform_14(%arg0: i32) -> (i32, i32) {
    %c0_i32 = arith.constant 0 : i32
    %c0_i32_0 = arith.constant 0 : i32
    %c0_i32_1 = arith.constant 0 : i32
    return %c0_i32, %c0_i32_0 : i32, i32
  }
  func.func @transform_15(%arg0: i32) -> (i32, i32) {
    %c0_i32 = arith.constant 0 : i32
    %c0_i32_0 = arith.constant 0 : i32
    %c0_i32_1 = arith.constant 0 : i32
    return %c0_i32, %c0_i32_0 : i32, i32
  }
  func.func @transform_16(%arg0: i32) -> (i32, i32) {
    %c0_i32 = arith.constant 0 : i32
    %c0_i32_0 = arith.constant 0 : i32
    %c0_i32_1 = arith.constant 0 : i32
    return %c0_i32, %c0_i32_0 : i32, i32
  }
  func.func @transform_17(%arg0: i32) -> (i32, i32) {
    %c0_i32 = arith.constant 0 : i32
    %c0_i32_0 = arith.constant 0 : i32
    %c0_i32_1 = arith.constant 0 : i32
    return %c0_i32, %c0_i32_0 : i32, i32
  }
}

module attributes {stable_mosaic.version = 14 : i64} {
  func.func @_k2(%arg0: i32, %arg1: memref<1x1x2048xi32, #tpu.memory_space<vmem>>, %arg2: memref<2048x128xf32, #tpu.memory_space<vmem>>, %arg3: memref<2048x128xf32, #tpu.memory_space<vmem>>, %arg4: memref<512x20xf32, #tpu.memory_space<vmem>>, %arg5: memref<512x20xf32, #tpu.memory_space<vmem>>, %arg6: memref<512x20xf32, #tpu.memory_space<vmem>>, %arg7: memref<21x20xf32, #tpu.memory_space<vmem>>, %arg8: memref<1x20xf32, #tpu.memory_space<vmem>>, %arg9: memref<40x1xf32, #tpu.memory_space<vmem>>, %arg10: memref<1x1xf32, #tpu.memory_space<vmem>>, %arg11: memref<1024x1xf32, #tpu.memory_space<vmem>>) attributes {dimension_semantics = [#tpu.dimension_semantics<arbitrary>], iteration_bounds = array<i64: 4>, scalar_prefetch = 0 : i64, scratch_operands = 0 : i64, tpu.core_type = #tpu.core_type<tc>, window_params = [{transform_indices = @transform_0, window_bounds = array<i64: 1, 1, 2048>}, {transform_indices = @transform_1, window_bounds = array<i64: 2048, 128>}, {transform_indices = @transform_2, window_bounds = array<i64: 2048, 128>}, {pipeline_mode = #tpu.pipeline_mode<synchronous>, transform_indices = @transform_3, window_bounds = array<i64: 512, 20>}, {pipeline_mode = #tpu.pipeline_mode<synchronous>, transform_indices = @transform_4, window_bounds = array<i64: 512, 20>}, {pipeline_mode = #tpu.pipeline_mode<synchronous>, transform_indices = @transform_5, window_bounds = array<i64: 512, 20>}, {pipeline_mode = #tpu.pipeline_mode<synchronous>, transform_indices = @transform_6, window_bounds = array<i64: 21, 20>}, {pipeline_mode = #tpu.pipeline_mode<synchronous>, transform_indices = @transform_7, window_bounds = array<i64: 1, 20>}, {pipeline_mode = #tpu.pipeline_mode<synchronous>, transform_indices = @transform_8, window_bounds = array<i64: 40, 1>}, {pipeline_mode = #tpu.pipeline_mode<synchronous>, transform_indices = @transform_9, window_bounds = array<i64: 1, 1>}, {transform_indices = @transform_10, window_bounds = array<i64: 1024, 1>}]} {
    %get3A = arith.constant 0 : index
    %get3A_0 = arith.constant 0 : index
    %get3A_1 = arith.constant 0 : index
    %get3A_2 = vector.load %arg1[%get3A, %get3A_0, %get3A_1] : memref<1x1x2048xi32, #tpu.memory_space<vmem>>, vector<1x1x2048xi32>
    %get3A_3 = vector.shape_cast %get3A_2 : vector<1x1x2048xi32> to vector<2048xi32>
    %get3A_4 = arith.constant 0 : index
    %get3A_5 = arith.constant 0 : index
    %get3A_6 = vector.load %arg2[%get3A_4, %get3A_5] : memref<2048x128xf32, #tpu.memory_space<vmem>>, vector<2048x128xf32>
    %get3A_7 = arith.constant 0 : index
    %get3A_8 = arith.constant 0 : index
    %get3A_9 = vector.load %arg3[%get3A_7, %get3A_8] : memref<2048x128xf32, #tpu.memory_space<vmem>>, vector<2048x128xf32>
    %slice3A = vector.extract_strided_slice %get3A_6 {offsets = [0, 0], sizes = [2048, 20], strides = [1, 1]} : vector<2048x128xf32> to vector<2048x20xf32>
    %slice3A_10 = vector.extract_strided_slice %get3A_6 {offsets = [0, 32], sizes = [2048, 20], strides = [1, 1]} : vector<2048x128xf32> to vector<2048x20xf32>
    %slice3A_11 = vector.extract_strided_slice %get3A_9 {offsets = [0, 0], sizes = [2048, 20], strides = [1, 1]} : vector<2048x128xf32> to vector<2048x20xf32>
    %slice3A_12 = vector.extract_strided_slice %get3A_9 {offsets = [0, 32], sizes = [2048, 20], strides = [1, 1]} : vector<2048x128xf32> to vector<2048x20xf32>
    %iota3A = tpu.iota {dimensions = array<i32: 0>} : vector<64x512xi32>
    %iota3A_13 = tpu.iota {dimensions = array<i32: 1>} : vector<64x512xi32>
    %shift_right_arithmetic3A = arith.constant 3 : i32
    %shift_right_arithmetic3A_14 = vector.broadcast %shift_right_arithmetic3A : i32 to vector<64x512xi32>
    %shift_right_arithmetic3A_15 = arith.shrsi %iota3A_13, %shift_right_arithmetic3A_14 : vector<64x512xi32>
    %eq3A = arith.cmpi eq, %iota3A, %shift_right_arithmetic3A_15 : vector<64x512xi32>
    %convert_element_type3A = arith.extui %eq3A : vector<64x512xi1> to vector<64x512xi32>
    %convert_element_type3A_16 = arith.sitofp %convert_element_type3A : vector<64x512xi32> to vector<64x512xf32>
    %iota3A_17 = tpu.iota {dimensions = array<i32: 1>} : vector<1x512xi32>
    %and3A = arith.constant 7 : i32
    %and3A_18 = vector.broadcast %and3A : i32 to vector<1x512xi32>
    %and3A_19 = arith.andi %iota3A_17, %and3A_18 : vector<1x512xi32>
    %shift_left3A = arith.constant 1 : i32
    %shift_left3A_20 = vector.broadcast %shift_left3A : i32 to vector<1x512xi32>
    %shift_left3A_21 = arith.shli %shift_left3A_20, %and3A_19 : vector<1x512xi32>
    %convert_element_type3A_22 = arith.sitofp %shift_left3A_21 : vector<1x512xi32> to vector<1x512xf32>
    %div3A = arith.constant 1.000000e+00 : f32
    %div3A_23 = vector.broadcast %div3A : f32 to vector<1x512xf32>
    %div3A_24 = arith.divf %div3A_23, %convert_element_type3A_22 : vector<1x512xf32>
    %slice3A_25 = vector.extract_strided_slice %get3A_6 {offsets = [0, 64], sizes = [2048, 64], strides = [1, 1]} : vector<2048x128xf32> to vector<2048x64xf32>
    %dot_general3A = arith.constant dense<0.000000e+00> : vector<2048x512xf32>
    %dot_general3A_26 = tpu.matmul %slice3A_25, %convert_element_type3A_16, %dot_general3A {dimension_numbers = #tpu.dot_dimension_numbers<[1], [0], [0], [1], [0, 0, 1, 1], [], []>, transpose_lhs_hint = false} : vector<2048x64xf32>, vector<64x512xf32>, vector<2048x512xf32> -> vector<2048x512xf32>
    %mul3A = vector.broadcast %div3A_24 : vector<1x512xf32> to vector<2048x512xf32>
    %mul3A_27 = arith.mulf %dot_general3A_26, %mul3A : vector<2048x512xf32>
    %floor3A = math.floor %mul3A_27 : vector<2048x512xf32>
    %mul3A_28 = arith.constant 5.000000e-01 : f32
    %mul3A_29 = vector.broadcast %mul3A_28 : f32 to vector<2048x512xf32>
    %mul3A_30 = arith.mulf %floor3A, %mul3A_29 : vector<2048x512xf32>
    %floor3A_31 = math.floor %mul3A_30 : vector<2048x512xf32>
    %mul3A_32 = arith.constant 2.000000e+00 : f32
    %mul3A_33 = vector.broadcast %mul3A_32 : f32 to vector<2048x512xf32>
    %mul3A_34 = arith.mulf %mul3A_33, %floor3A_31 : vector<2048x512xf32>
    %sub3A = arith.subf %floor3A, %mul3A_34 : vector<2048x512xf32>
    %slice3A_35 = vector.extract_strided_slice %get3A_9 {offsets = [0, 64], sizes = [2048, 64], strides = [1, 1]} : vector<2048x128xf32> to vector<2048x64xf32>
    %dot_general3A_36 = arith.constant dense<0.000000e+00> : vector<2048x512xf32>
    %dot_general3A_37 = tpu.matmul %slice3A_35, %convert_element_type3A_16, %dot_general3A_36 {dimension_numbers = #tpu.dot_dimension_numbers<[1], [0], [0], [1], [0, 0, 1, 1], [], []>, transpose_lhs_hint = false} : vector<2048x64xf32>, vector<64x512xf32>, vector<2048x512xf32> -> vector<2048x512xf32>
    %mul3A_38 = vector.broadcast %div3A_24 : vector<1x512xf32> to vector<2048x512xf32>
    %mul3A_39 = arith.mulf %dot_general3A_37, %mul3A_38 : vector<2048x512xf32>
    %floor3A_40 = math.floor %mul3A_39 : vector<2048x512xf32>
    %mul3A_41 = arith.constant 5.000000e-01 : f32
    %mul3A_42 = vector.broadcast %mul3A_41 : f32 to vector<2048x512xf32>
    %mul3A_43 = arith.mulf %floor3A_40, %mul3A_42 : vector<2048x512xf32>
    %floor3A_44 = math.floor %mul3A_43 : vector<2048x512xf32>
    %mul3A_45 = arith.constant 2.000000e+00 : f32
    %mul3A_46 = vector.broadcast %mul3A_45 : f32 to vector<2048x512xf32>
    %mul3A_47 = arith.mulf %mul3A_46, %floor3A_44 : vector<2048x512xf32>
    %sub3A_48 = arith.subf %floor3A_40, %mul3A_47 : vector<2048x512xf32>
    %mul3A_49 = arith.mulf %sub3A, %sub3A_48 : vector<2048x512xf32>
    %reduce_sum3A = arith.constant dense<0.000000e+00> : vector<2048xf32>
    %reduce_sum3A_50 = vector.multi_reduction <add>, %mul3A_49, %reduce_sum3A [1] : vector<2048x512xf32> to vector<2048xf32>
    %get3A_51 = arith.constant 0 : index
    %get3A_52 = arith.constant 0 : index
    %get3A_53 = vector.load %arg4[%get3A_51, %get3A_52] : memref<512x20xf32, #tpu.memory_space<vmem>>, vector<512x20xf32>
    %dot_general3A_54 = arith.constant dense<0.000000e+00> : vector<2048x20xf32>
    %dot_general3A_55 = tpu.matmul %mul3A_49, %get3A_53, %dot_general3A_54 {dimension_numbers = #tpu.dot_dimension_numbers<[1], [0], [0], [1], [0, 0, 1, 1], [], []>, transpose_lhs_hint = false} : vector<2048x512xf32>, vector<512x20xf32>, vector<2048x20xf32> -> vector<2048x20xf32>
    %get3A_56 = arith.constant 0 : index
    %get3A_57 = arith.constant 0 : index
    %get3A_58 = vector.load %arg5[%get3A_56, %get3A_57] : memref<512x20xf32, #tpu.memory_space<vmem>>, vector<512x20xf32>
    %dot_general3A_59 = arith.constant dense<0.000000e+00> : vector<2048x20xf32>
    %dot_general3A_60 = tpu.matmul %mul3A_49, %get3A_58, %dot_general3A_59 {dimension_numbers = #tpu.dot_dimension_numbers<[1], [0], [0], [1], [0, 0, 1, 1], [], []>, transpose_lhs_hint = false} : vector<2048x512xf32>, vector<512x20xf32>, vector<2048x20xf32> -> vector<2048x20xf32>
    %get3A_61 = arith.constant 0 : index
    %get3A_62 = arith.constant 0 : index
    %get3A_63 = vector.load %arg6[%get3A_61, %get3A_62] : memref<512x20xf32, #tpu.memory_space<vmem>>, vector<512x20xf32>
    %dot_general3A_64 = arith.constant dense<0.000000e+00> : vector<2048x20xf32>
    %dot_general3A_65 = tpu.matmul %mul3A_49, %get3A_63, %dot_general3A_64 {dimension_numbers = #tpu.dot_dimension_numbers<[1], [0], [0], [1], [0, 0, 1, 1], [], []>, transpose_lhs_hint = false} : vector<2048x512xf32>, vector<512x20xf32>, vector<2048x20xf32> -> vector<2048x20xf32>
    %iota3A_66 = tpu.iota {dimensions = array<i32: 1>} : vector<2048x512xi32>
    %broadcast_in_dim3A = vector.shape_cast %get3A_3 : vector<2048xi32> to vector<2048x1xi32>
    %eq3A_67 = vector.broadcast %broadcast_in_dim3A : vector<2048x1xi32> to vector<2048x512xi32>
    %eq3A_68 = arith.cmpi eq, %eq3A_67, %iota3A_66 : vector<2048x512xi32>
    %convert_element_type3A_69 = arith.extui %eq3A_68 : vector<2048x512xi1> to vector<2048x512xi32>
    %convert_element_type3A_70 = arith.sitofp %convert_element_type3A_69 : vector<2048x512xi32> to vector<2048x512xf32>
    %mul3A_71 = arith.mulf %sub3A, %convert_element_type3A_70 : vector<2048x512xf32>
    %reduce_sum3A_72 = arith.constant dense<0.000000e+00> : vector<2048xf32>
    %reduce_sum3A_73 = vector.multi_reduction <add>, %mul3A_71, %reduce_sum3A_72 [1] : vector<2048x512xf32> to vector<2048xf32>
    %mul3A_74 = arith.mulf %slice3A, %slice3A_11 : vector<2048x20xf32>
    %broadcast_in_dim3A_75 = vector.shape_cast %reduce_sum3A_50 : vector<2048xf32> to vector<2048x1xf32>
    %mul3A_76 = vector.broadcast %broadcast_in_dim3A_75 : vector<2048x1xf32> to vector<2048x20xf32>
    %mul3A_77 = arith.mulf %mul3A_74, %mul3A_76 : vector<2048x20xf32>
    %mul3A_78 = arith.mulf %slice3A, %dot_general3A_60 : vector<2048x20xf32>
    %add3A = arith.addf %mul3A_77, %mul3A_78 : vector<2048x20xf32>
    %mul3A_79 = arith.mulf %slice3A_11, %dot_general3A_55 : vector<2048x20xf32>
    %add3A_80 = arith.addf %add3A, %mul3A_79 : vector<2048x20xf32>
    %add3A_81 = arith.addf %add3A_80, %dot_general3A_65 : vector<2048x20xf32>
    %add3A_82 = arith.addf %reduce_sum3A_50, %reduce_sum3A_73 : vector<2048xf32>
    %gt3A = arith.constant 0.000000e+00 : f32
    %gt3A_83 = vector.broadcast %gt3A : f32 to vector<2048xf32>
    %gt3A_84 = arith.cmpf ogt, %add3A_82, %gt3A_83 : vector<2048xf32>
    %convert_element_type3A_85 = arith.extui %gt3A_84 : vector<2048xi1> to vector<2048xi32>
    %convert_element_type3A_86 = arith.sitofp %convert_element_type3A_85 : vector<2048xi32> to vector<2048xf32>
    %get3A_87 = arith.constant 0 : index
    %get3A_88 = arith.constant 0 : index
    %get3A_89 = vector.load %arg7[%get3A_87, %get3A_88] : memref<21x20xf32, #tpu.memory_space<vmem>>, vector<21x20xf32>
    %slice3A_90 = vector.extract_strided_slice %get3A_89 {offsets = [0, 0], sizes = [20, 20], strides = [1, 1]} : vector<21x20xf32> to vector<20x20xf32>
    %dot_general3A_91 = arith.constant dense<0.000000e+00> : vector<2048x20xf32>
    %dot_general3A_92 = tpu.matmul %add3A_81, %slice3A_90, %dot_general3A_91 {dimension_numbers = #tpu.dot_dimension_numbers<[1], [0], [0], [1], [0, 0, 1, 1], [], []>, transpose_lhs_hint = false} : vector<2048x20xf32>, vector<20x20xf32>, vector<2048x20xf32> -> vector<2048x20xf32>
    %broadcast_in_dim3A_93 = vector.shape_cast %reduce_sum3A_73 : vector<2048xf32> to vector<2048x1xf32>
    %slice3A_94 = vector.extract_strided_slice %get3A_89 {offsets = [20, 0], sizes = [1, 20], strides = [1, 1]} : vector<21x20xf32> to vector<1x20xf32>
    %squeeze3A = vector.shape_cast %slice3A_94 : vector<1x20xf32> to vector<20xf32>
    %broadcast_in_dim3A_95 = vector.shape_cast %squeeze3A : vector<20xf32> to vector<1x20xf32>
    %mul3A_96 = vector.broadcast %broadcast_in_dim3A_93 : vector<2048x1xf32> to vector<2048x20xf32>
    %mul3A_97 = vector.broadcast %broadcast_in_dim3A_95 : vector<1x20xf32> to vector<2048x20xf32>
    %mul3A_98 = arith.mulf %mul3A_96, %mul3A_97 : vector<2048x20xf32>
    %add3A_99 = arith.addf %dot_general3A_92, %mul3A_98 : vector<2048x20xf32>
    %get3A_100 = arith.constant 0 : index
    %get3A_101 = arith.constant 0 : index
    %get3A_102 = vector.load %arg8[%get3A_100, %get3A_101] : memref<1x20xf32, #tpu.memory_space<vmem>>, vector<1x20xf32>
    %add3A_103 = vector.broadcast %get3A_102 : vector<1x20xf32> to vector<2048x20xf32>
    %add3A_104 = arith.addf %add3A_99, %add3A_103 : vector<2048x20xf32>
    %broadcast_in_dim3A_105 = vector.shape_cast %convert_element_type3A_86 : vector<2048xf32> to vector<2048x1xf32>
    %mul3A_106 = vector.broadcast %broadcast_in_dim3A_105 : vector<2048x1xf32> to vector<2048x20xf32>
    %mul3A_107 = arith.mulf %add3A_104, %mul3A_106 : vector<2048x20xf32>
    %slice3A_108 = vector.extract_strided_slice %mul3A_107 {offsets = [0, 0], sizes = [1024, 20], strides = [1, 1]} : vector<2048x20xf32> to vector<1024x20xf32>
    %slice3A_109 = vector.extract_strided_slice %mul3A_107 {offsets = [1024, 0], sizes = [1024, 20], strides = [1, 1]} : vector<2048x20xf32> to vector<1024x20xf32>
    %mul3A_110 = arith.mulf %slice3A_108, %slice3A_109 : vector<1024x20xf32>
    %slice3A_111 = vector.extract_strided_slice %slice3A_10 {offsets = [0, 0], sizes = [1024, 20], strides = [1, 1]} : vector<2048x20xf32> to vector<1024x20xf32>
    %slice3A_112 = vector.extract_strided_slice %slice3A_12 {offsets = [0, 0], sizes = [1024, 20], strides = [1, 1]} : vector<2048x20xf32> to vector<1024x20xf32>
    %mul3A_113 = arith.mulf %slice3A_111, %slice3A_112 : vector<1024x20xf32>
    %get3A_114 = arith.constant 0 : index
    %get3A_115 = arith.constant 0 : index
    %get3A_116 = vector.load %arg9[%get3A_114, %get3A_115] : memref<40x1xf32, #tpu.memory_space<vmem>>, vector<40x1xf32>
    %slice3A_117 = vector.extract_strided_slice %get3A_116 {offsets = [0, 0], sizes = [20, 1], strides = [1, 1]} : vector<40x1xf32> to vector<20x1xf32>
    %dot_general3A_118 = arith.constant dense<0.000000e+00> : vector<1024x1xf32>
    %dot_general3A_119 = tpu.matmul %mul3A_110, %slice3A_117, %dot_general3A_118 {dimension_numbers = #tpu.dot_dimension_numbers<[1], [0], [0], [1], [0, 0, 1, 1], [], []>, transpose_lhs_hint = false} : vector<1024x20xf32>, vector<20x1xf32>, vector<1024x1xf32> -> vector<1024x1xf32>
    %slice3A_120 = vector.extract_strided_slice %get3A_116 {offsets = [20, 0], sizes = [20, 1], strides = [1, 1]} : vector<40x1xf32> to vector<20x1xf32>
    %dot_general3A_121 = arith.constant dense<0.000000e+00> : vector<1024x1xf32>
    %dot_general3A_122 = tpu.matmul %mul3A_113, %slice3A_120, %dot_general3A_121 {dimension_numbers = #tpu.dot_dimension_numbers<[1], [0], [0], [1], [0, 0, 1, 1], [], []>, transpose_lhs_hint = false} : vector<1024x20xf32>, vector<20x1xf32>, vector<1024x1xf32> -> vector<1024x1xf32>
    %add3A_123 = arith.addf %dot_general3A_119, %dot_general3A_122 : vector<1024x1xf32>
    %get3A_124 = arith.constant 0 : index
    %get3A_125 = arith.constant 0 : index
    %get3A_126 = vector.load %arg10[%get3A_124, %get3A_125] : memref<1x1xf32, #tpu.memory_space<vmem>>, vector<1x1xf32>
    %add3A_127 = vector.broadcast %get3A_126 : vector<1x1xf32> to vector<1024x1xf32>
    %add3A_128 = arith.addf %add3A_123, %add3A_127 : vector<1024x1xf32>
    %swap3A = arith.constant 0 : index
    %swap3A_129 = arith.constant 0 : index
    %swap3A_130 = vector.load %arg11[%swap3A, %swap3A_129] : memref<1024x1xf32, #tpu.memory_space<vmem>>, vector<1024x1xf32>
    tpu.vector_store %arg11[%swap3A, %swap3A_129], %add3A_128 {strides = array<i32>} : memref<1024x1xf32, #tpu.memory_space<vmem>>, vector<1024x1xf32>,
    return
  }
  func.func @transform_0(%arg0: i32) -> (i32, i32, i32) {
    %c0_i32 = arith.constant 0 : i32
    %c0_i32_0 = arith.constant 0 : i32
    %c0_i32_1 = arith.constant 0 : i32
    return %arg0, %c0_i32, %c0_i32_0 : i32, i32, i32
  }
  func.func @transform_1(%arg0: i32) -> (i32, i32) {
    %c0_i32 = arith.constant 0 : i32
    %c0_i32_0 = arith.constant 0 : i32
    return %arg0, %c0_i32 : i32, i32
  }
  func.func @transform_2(%arg0: i32) -> (i32, i32) {
    %c0_i32 = arith.constant 0 : i32
    %c0_i32_0 = arith.constant 0 : i32
    return %arg0, %c0_i32 : i32, i32
  }
  func.func @transform_3(%arg0: i32) -> (i32, i32) {
    %c0_i32 = arith.constant 0 : i32
    %c0_i32_0 = arith.constant 0 : i32
    %c0_i32_1 = arith.constant 0 : i32
    return %c0_i32, %c0_i32_0 : i32, i32
  }
  func.func @transform_4(%arg0: i32) -> (i32, i32) {
    %c0_i32 = arith.constant 0 : i32
    %c0_i32_0 = arith.constant 0 : i32
    %c0_i32_1 = arith.constant 0 : i32
    return %c0_i32, %c0_i32_0 : i32, i32
  }
  func.func @transform_5(%arg0: i32) -> (i32, i32) {
    %c0_i32 = arith.constant 0 : i32
    %c0_i32_0 = arith.constant 0 : i32
    %c0_i32_1 = arith.constant 0 : i32
    return %c0_i32, %c0_i32_0 : i32, i32
  }
  func.func @transform_6(%arg0: i32) -> (i32, i32) {
    %c0_i32 = arith.constant 0 : i32
    %c0_i32_0 = arith.constant 0 : i32
    %c0_i32_1 = arith.constant 0 : i32
    return %c0_i32, %c0_i32_0 : i32, i32
  }
  func.func @transform_7(%arg0: i32) -> (i32, i32) {
    %c0_i32 = arith.constant 0 : i32
    %c0_i32_0 = arith.constant 0 : i32
    %c0_i32_1 = arith.constant 0 : i32
    return %c0_i32, %c0_i32_0 : i32, i32
  }
  func.func @transform_8(%arg0: i32) -> (i32, i32) {
    %c0_i32 = arith.constant 0 : i32
    %c0_i32_0 = arith.constant 0 : i32
    %c0_i32_1 = arith.constant 0 : i32
    return %c0_i32, %c0_i32_0 : i32, i32
  }
  func.func @transform_9(%arg0: i32) -> (i32, i32) {
    %c0_i32 = arith.constant 0 : i32
    %c0_i32_0 = arith.constant 0 : i32
    %c0_i32_1 = arith.constant 0 : i32
    return %c0_i32, %c0_i32_0 : i32, i32
  }
  func.func @transform_10(%arg0: i32) -> (i32, i32) {
    %c0_i32 = arith.constant 0 : i32
    %c0_i32_0 = arith.constant 0 : i32
    return %arg0, %c0_i32 : i32, i32
  }
}

</mosaic_0001>

<sc_bundles>
// kernel: kernel.5.cloned.1.call-start
scs
__scs_entry_jumppad:
0x0: {  	(pc) =	sbr.rel $0x88, $3  }
0x1: {  	(tag) =	ssettag $0x0;
	lr =	simm.s32 $0x1  }
0x2: {  	[smem:$0x3F92] =	sst lr;
	_ =	strace $0xD0000000  }
0x3: {  	_ = 	snop  }
0x4: {  	_ = 	snop  }
0x5: {  	_ = 	snop  }
0x6: {  	_ = 	snop  }
0x7: {  	_ = 	snop  }
__scs_overlays_trampoline_lowered:
0x8: {  	[smem:$0x3FA1] =	sst s0  }
0x9: {  	[smem:$0x3FA2] =	sst s1  }
0xa: {  	[smem:$0x3FA3] =	sst s2  }
0xb: {  	[smem:$0x3FA4] =	sst s3  }
0xc: {  	[smem:$0x3FA5] =	sst s4  }
0xd: {  	[smem:$0x3FA6] =	sst s5  }
0xe: {  	[smem:$0x3FA7] =	sst s6  }
0xf: {  	[smem:$0x3FA8] =	sst s7  }
0x10: {  	[smem:$0x3FA9] =	sst s8  }
0x11: {  	[smem:$0x3FAA] =	sst s9;
	s0 =	simm.s32 @!p0 $0x0  }
0x12: {  	s1 =	sld [smem:$0x3F90];
	s0 =	simm.s32 @p0 $0x1  }
0x13: {  	[smem:$0x3FAB] =	sst s0;
	s0 =	simm.s32 @!p1 $0x0  }
0x14: {  	s2 =	sld [smem:$0x3F8F];
	s0 =	simm.s32 @p1 $0x1  }
0x15: {  	[smem:$0x3FAC] =	sst s0;
	s0 =	simm.s32 @!p2 $0x0  }
0x16: {  	s3 =	sld [smem:$0x3FDB];
	s0 =	simm.s32 @p2 $0x1  }
0x17: {  	s4 =	simm.s32 $0x1BF5;
	[smem:$0x3FAE] =	sst s0  }
0x18: {  	s0 =	sld [smem:$0x3F91];
	_ =	swait.ge [sflag:s4], $0x0  }
0x19: {  	s7 =	sld [smem:$0x3F92]  }
0x1a: {  	s8 =	sadd.s32 $0xFFFFE003, lr  }
0x1b: {  	s9 =	sadd.s32 $0xFFFFFEF7, lr;
	s5 =	simm.s32 $0xFFFFFFFF;
	p2 =	slt.u32 s8, $0xFFFFF086  }
0x1c: {  	p1 =	slt.u32 s9, $0xF7A;
	s5 =	simm.s32 @!p2 $0x0  }
0x1d: {  	s5 =	simm.s32 @p1 $0x1;
	p0 =	seq.s32 s7, s2  }
0x1e: {  	s7 =	smul.u32 @!p0 $0xF7A, s2;
	p2 =	seq.s32 @!p0 s5, $0x0  }
0x1f: {  	s9 =	smul.u32 $0xF7A, s1;
	s8 =	simm.s32 @!p0 $0x1BF5;
	p2 =	por !p2, p0  }
0x20: {  	[sflag:s8] =	ssyncset.s32 @!p0 $0xFFFFF086;
	s6 =	sadd.s32 @!p0 s3, s7;
	s7 =	simm.s32 @!p0 $0x108  }
0x21: {  	s3 =	sadd.s32 s3, s9;
	s6 =	sadd.s32 @!p0 $0x88, s6;
	s7 =	simm.s32 @p2 $0x1082  }
0x22: {  	[simem:s7], [sflag:s8] =	dma.local @!p0 [hbm:s6], $0xF7A  }
0x23: {  	s9 =	sor.u32 $0xD0000000, s2;
	s6 =	simm.s32 $0x108;
	_ =	swait.ge @!p0 [sflag:s8], $0x0  }
0x24: {  	s3 =	sadd.s32 $0x88, s3;
	s6 =	simm.s32 @!p1 $0x1082;
	[sflag:s4] =	ssyncset.s32 $0xFFFFF086  }
0x25: {  	[simem:s6], [sflag:s4] =	dma.local [hbm:s3], $0xF7A  }
0x26: {  	[smem:$0x3F92] =	sst s1;
	(tag) =	ssettag s2;
	_ =	strace s9  }
0x27: {  	s1 =	sld [smem:$0x3FA2]  }
0x28: {  	s2 =	sld [smem:$0x3FA3]  }
0x29: {  	s4 =	sld [smem:$0x3FA5]  }
0x2a: {  	p0 =	seq.s32 s5, $0x0;
	s5 =	sld [smem:$0x3FA6]  }
0x2b: {  	s6 =	sld [smem:$0x3FA7]  }
0x2c: {  	s7 =	sld [smem:$0x3FA8]  }
0x2d: {  	s3 =	simm.s32 $0x108;
	s8 =	sld [smem:$0x3FA9]  }
0x2e: {  	s3 =	simm.s32 @!p0 $0x1082;
	s9 =	sld [smem:$0x3FAA]  }
0x2f: {  	lr =	sadd.s32 s0, s3;
	s0 =	sld [smem:$0x3FA1]  }
0x30: {  	s3 =	sld [smem:$0x3FA4]  }
0x31: {  	[smem:$0x3FAD] =	sst s10  }
0x32: {  	s10 =	sld [smem:$0x3FAB];
	_ =	sdelay $0x3  }
0x33: {  	p0 =	seq.s32 s10, $0x1;
	s10 =	sld [smem:$0x3FAD];
	_ =	sdelay $0x3  }
0x34: {  	[smem:$0x3FAD] =	sst s10  }
0x35: {  	s10 =	sld [smem:$0x3FAC];
	_ =	sdelay $0x3  }
0x36: {  	p1 =	seq.s32 s10, $0x1;
	s10 =	sld [smem:$0x3FAD];
	_ =	sdelay $0x3  }
0x37: {  	[smem:$0x3FAD] =	sst s10  }
0x38: {  	s10 =	sld [smem:$0x3FAE]  }
0x39: {  	_ = 	snop;
	(pc) =	sbr.ind lr, $3  }
0x3a: {  	_ = 	snop  }
0x3b: {  	_ = 	snop  }
0x3c: {  	p2 =	seq.s32 s10, $0x1;
	s10 =	sld [smem:$0x3FAD]  }
0x3d: {  	_ =	shalt  }
0x3e: {  	_ =	shalt  }
0x3f: {  	_ =	shalt  }
0x40: {  	_ =	shalt  }
0x41: {  	_ =	shalt  }
0x42: {  	_ =	shalt  }
0x43: {  	_ =	shalt  }
0x44: {  	_ =	shalt  }
0x45: {  	_ =	shalt  }
0x46: {  	_ =	shalt  }
0x47: {  	_ =	shalt  }
0x48: {  	_ =	shalt  }
0x49: {  	_ =	shalt  }
0x4a: {  	_ =	shalt  }
0x4b: {  	_ =	shalt  }
0x4c: {  	_ =	shalt  }
0x4d: {  	_ =	shalt  }
0x4e: {  	_ =	shalt  }
0x4f: {  	_ =	shalt  }
0x50: {  	_ =	shalt  }
0x51: {  	_ =	shalt  }
0x52: {  	_ =	shalt  }
0x53: {  	_ =	shalt  }
0x54: {  	_ =	shalt  }
0x55: {  	_ =	shalt  }
0x56: {  	_ =	shalt  }
0x57: {  	_ =	shalt  }
0x58: {  	_ =	shalt  }
0x59: {  	_ =	shalt  }
0x5a: {  	_ =	shalt  }
0x5b: {  	_ =	shalt  }
0x5c: {  	_ =	shalt  }
0x5d: {  	_ =	shalt  }
0x5e: {  	_ =	shalt  }
0x5f: {  	_ =	shalt  }
0x60: {  	_ =	shalt  }
0x61: {  	_ =	shalt  }
0x62: {  	_ =	shalt  }
0x63: {  	_ =	shalt  }
0x64: {  	_ =	shalt  }
0x65: {  	_ =	shalt  }
0x66: {  	_ =	shalt  }
0x67: {  	_ =	shalt  }
0x68: {  	_ =	shalt  }
0x69: {  	_ =	shalt  }
0x6a: {  	_ =	shalt  }
0x6b: {  	_ =	shalt  }
0x6c: {  	_ =	shalt  }
0x6d: {  	_ =	shalt  }
0x6e: {  	_ =	shalt  }
0x6f: {  	_ =	shalt  }
0x70: {  	_ =	shalt  }
0x71: {  	_ =	shalt  }
0x72: {  	_ =	shalt  }
0x73: {  	_ =	shalt  }
0x74: {  	_ =	shalt  }
0x75: {  	_ =	shalt  }
0x76: {  	_ =	shalt  }
0x77: {  	_ =	shalt  }
0x78: {  	_ =	shalt  }
0x79: {  	_ =	shalt  }
0x7a: {  	_ =	shalt  }
0x7b: {  	_ =	shalt  }
0x7c: {  	_ =	shalt  }
0x7d: {  	_ =	shalt  }
0x7e: {  	_ =	shalt  }
0x7f: {  	_ =	shalt  }
0x80: {  	_ =	shalt  }
0x81: {  	_ =	shalt  }
0x82: {  	_ =	shalt  }
0x83: {  	_ =	shalt  }
0x84: {  	_ =	shalt  }
0x85: {  	_ =	shalt  }
0x86: {  	_ =	shalt  }
0x87: {  	_ =	shalt  }
.Lfunc_end0:
.L_simem_size_0:
called_computation_lowered:
.L_overlay_start_0:
0x88: {  	s2 =	sld [smem:$0x3FD9]  }
0x89: {  	s3 =	sld [smem:$0x3FFE];
	_ =	sdelay $0x1  }
0x8a: {  	s1 =	srdreg.scid  }
0x8b: {  	s0 =	sand.u32 $0x1, s1  }
0x8c: {  	s16 =	sshll.u32 s0, $0xA;
	s2 =	sadd.s32 s3, s2  }
0x8d: {  	s2 =	sadd.s32 s2, s16  }
0x8e: {  	[smem:$0x3FB9] =	sst s2  }
0x8f: {  	_ = 	snop  }
0x90: {  	(tm) =	ssettm $0x1  }
0x91: {  	s17 =	sld [smem:$0x3FFB];
	_ =	sdelay $0x3  }
0x92: {  	_ =	strace s17  }
0x93: {  	s2 =	sld [smem:$0x3FFC];
	_ =	sdelay $0x3  }
0x94: {  	_ =	strace s2  }
0x95: {  	s2 =	sld [smem:$0x3FFD];
	_ =	sdelay $0x3  }
0x96: {  	_ =	strace s2  }
0x97: {  	_ =	strace $0x8FFFFFFF  }
0x98: {  	s18 =	sld [smem:$0x3FDB];
	_ =	sdelay $0x1  }
0x99: {  	s19 =	simm.s32 $_scs_section_size  }
0x9a: {  	s4 =	simm.s32 $_size__tile_overlayer_lowered;
	s5 =	simm.s32 $_tile_overlayer_lowered  }
0x9b: {  	s22 =	simm.s32 $0x1BFF;
	s21 =	sshll.u32 s5, $0x1;
	s2 =	sadd.s32 s19, s18  }
0x9c: {  	s6 =	simm.s32 $0x0;
	s20 =	sshll.u32 s4, $0x1;
	s4 =	sadd.s32 s21, s2  }
0x9d: {  	[timem:s6], [sflag:s22] =	dma.local [hbm:s4], s20  }
0x9e: {  	_ =	swait.ge [sflag:s22], s20  }
0x9f: {  	s3 =	ssub.s32 $0x0, s20;
	[sflag:s22] =	ssyncset.done $0x0  }
0xa0: {  	[sflag:s22] =	ssyncadd.s32 s3;
	_ =	sdelay $0x1  }
0xa1: {  	s23 =	simm.s32 $0x1B8B  }
0xa2: {  	_ =	swait.ge [sflag:s23], $0x1  }
0xa3: {  	[sflag:s23] =	ssyncset.done $0x0  }
0xa4: {  	s25 =	simm.s32 $0x1B8E;
	s24 =	sld [smem:$0x3FFE];
	[sflag:s23] =	ssyncadd.s32 $0xFFFFFFFF  }
0xa5: {  	s26 =	simm.s32 $execute0_lowered;
	[smem:$0x3FD2] =	sst s25  }
0xa6: {  	s4 =	sshll.u32 s26, $0x1;
	_ =	strace $0x80000046;
	[dreg:$0x1] =	wrdreg $0xFFFFFFFF  }
0xa7: {  	s28 =	simm.s32 $_size_execute0_lowered;
	s2 =	sadd.s32 s2, s4;
	[dreg:$0x0] =	wrdreg $0x0  }
0xa8: {  	s4 =	sshll.u32 s28, $0x1;
	[dreg:$0x2] =	wrdreg s2  }
0xa9: {  	[dreg:$0x3] =	wrdreg s4  }
0xaa: {  	[dreg:$0x4] =	wrdreg $0xC0  }
0xab: {  	_ =	task [dreg:s6], $0x5FFFF  }
0xac: {  	[dreg:$0x1] =	wrdreg $0xFFFFFFFF  }
0xad: {  	[dreg:$0x0] =	wrdreg $0x60  }
0xae: {  	[dreg:$0x2] =	wrdreg s24  }
0xaf: {  	[dreg:$0x3] =	wrdreg $0x9  }
0xb0: {  	_ =	task.clear_ibuf [dreg:s6], $0x4FFFF;
	_ =	strace $0x90000046  }
0xb1: {  	s29 =	simm.s32 $0x9;
	_ =	strace $0x80000048  }
0xb2: {  	_ =	swait.ge [sflag:s29], $0x1  }
0xb3: {  	[sflag:s29] =	ssyncadd.s32 $0xFFFFFFFF  }
0xb4: {  	_ =	strace $0x90000048  }
0xb5: {  	_ =	sfence  }
0xb6: {  	s30 =	sld [smem:$0x0];
	_ =	sdelay $0x2  }
0xb7: {  	s31 =	sshll.u32 s1, $0xD;
	s1 =	sshrl.u32 s1, $0x2  }
0xb8: {  	s3 =	sand.u32 $0x4000, s31;
	s1 =	sadd.s32 s1, s30  }
0xb9: {  	s0 =	sor.u32 s3, s0;
	s1 =	sshll.u32 s1, $0x11  }
0xba: {  	s0 =	sor.u32 s1, s0  }
0xbb: {  	s0 =	sadd.s32 $0x8F2B, s0  }
0xbc: {  	[sflag:s0] =	ssyncadd.remote.s32 $0x1  }
0xbd: {  	_ =	sfence.sel $0xFFFF  }
0xbe: {  	[dreg:$0x0] =	wrdreg $0xFFFFFFFF;
	(pc) =	sbr.abs _section_cstart, $3  }
0xbf: {  	[dreg:$0x1] =	wrdreg $0xFFFFFFFF  }
0xc0: {  	_ =	task.clear_ibuf [dreg:s6], $0x2FFFF;
	_ =	strace $0x9FFFFFFF  }
0xc1: {  	(tm) =	ssettm $0x7FFFFFFF  }
tec
execute0_lowered:
.L_overlay_start_1:
0x0: {  	(tag) =	ssettag $0x1  }
0x1: {  	s1 =	srdreg.scid  }
0x2: {  	s0 =	stileid.u32;
	s13 =	sand.u32 $0x1, s1  }
0x3: {  	s31 =	sshll.u32 s0, $0x9;
	s2 =	sshll.u32 s13, $0x8  }
0x4: {  	s12 =	rddreg [dreg:$0x0];
	s14 =	sor.u32 s2, s31  }
0x5: {  	s1 =	rddreg [dreg:$0x1];
	s2 =	simm.s32 $0x0;
	s3 =	sshrl.u32 s14, $0x3  }
0x6: {  	[smem:$0x7FF] =	sst s2;
	s5 =	sadd.s32 s3, s12  }
0x7: {  	_ =	strace $0x80000047;
	s3 =	simm.s32 $0x3;
	s4 =	sadd.s32 $0x2A00, s5  }
0x8: {  	[tilespmem:s2], [sflag:$0x3] =	stream.linear.gather [hbm4b:s4+s2], $0x100, $0x38;
	[tilespmem:$0x10200] =	vst v63  }
0x9: {  	_ =	swait.ge [sflag:s3], $0x100  }
0xa: {  	[sflag:s3] =	ssyncset.done $0x0  }
0xb: {  	s6 =	simm.s32 $0x100;
	s5 =	sadd.s32 $0x2E00, s5;
	[sflag:s3] =	ssyncadd.s32 $0xFFFFFF00  }
0xc: {  	[tilespmem:s6], [sflag:$0x3] =	stream.linear.gather [hbm4b:s5+s2], $0x100, $0x38;
	[tilespmem:$0x10200] =	vst v63  }
0xd: {  	_ =	swait.ge [sflag:s3], $0x100  }
0xe: {  	[sflag:s3] =	ssyncset.done $0x0  }
0xf: {  	s8 =	simm.s32 $0x200;
	s7 =	sadd.s32 $0x3200, s12;
	[sflag:s3] =	ssyncadd.s32 $0xFFFFFF00  }
0x10: {  	[tilespmem:s8], [sflag:$0x1] =	stream.indirect.gather [hbm4b:s7+s6], $0x80, s2, s6, $0xb8;
	[tilespmem:$0x10200] =	vst v63  }
0x11: {  	s10 =	simm.s32 $0x8200;
	s11 =	simm.s32 $0x1;
	s9 =	sadd.s32 $0x5200, s12  }
0x12: {  	[tilespmem:s10], [sflag:$0x2] =	stream.indirect.gather [hbm4b:s9+s6], $0x80, s6, s6, $0xb8;
	[tilespmem:$0x10200] =	vst v63  }
0x13: {  	s14 =	sshll.u32 s14, $0x4;
	_ =	swait.ge [sflag:s11], $0x8000  }
0x14: {  	s14 =	sadd.s32 s14, s12;
	[sflag:s11] =	ssyncset.done $0x0  }
0x15: {  	s15 =	ssub.s32 $0x2, s13;
	s12 =	sadd.s32 $0x7200, s14;
	[sflag:s11] =	ssyncadd.s32 $0xFFFF8000  }
0x16: {  	[hbm4b:s12+s2] =	stream.linear.scatter [tilespmem:s8], [sflag:$0x3], $0x8000, $0x38;
	[tilespmem:$0x10200] =	vst v63  }
0x17: {  	s16 =	sshrl.u32 s15, $0x1;
	_ =	swait.ge [sflag:s3], $0x8000  }
0x18: {  	s15 =	ssub.s32 s15, s16;
	[sflag:s3] =	ssyncset.done $0x0  }
0x19: {  	s13 =	simm.s32 $0x2;
	s15 =	smax.u32 s15, $0x1;
	[sflag:s3] =	ssyncadd.s32 $0xFFFF8000  }
0x1a: {  	p0 =	sne.s32 s15, $0x1;
	_ =	swait.ge [sflag:s13], $0x8000  }
.Ltmp0:
0x1b: {  	[sflag:s13] =	ssyncset.done $0x0;
	(pc) =	sbr.rel @!p0 .LBB2_2-.Ltmp0, $4  }
0x1c: {  	s14 =	sadd.s32 $0x27200, s14;
	[sflag:s13] =	ssyncadd.s32 $0xFFFF8000  }
0x1d: {  	[hbm4b:s14+s2] =	stream.linear.scatter [tilespmem:s10], [sflag:$0x3], $0x8000, $0x38;
	[tilespmem:$0x10200] =	vst v63  }
0x1e: {  	_ =	swait.ge [sflag:s3], $0x8000  }
0x1f: {  	s15 =	sadd.s32 $0xFFFFFFFF, s15;
	[sflag:s3] =	ssyncset.done $0x0  }
.LBB2_1:
0x20: {  	p0 =	sne.s32 s15, $0x1;
	s15 =	sadd.s32 $0xFFFFFFFF, s15;
	[sflag:s3] =	ssyncadd.s32 $0xFFFF8000  }
0x21: {  	[tilespmem:s2], [sflag:$0x3] =	stream.linear.gather [hbm4b:s4+s2], $0x100, $0x38;
	[tilespmem:$0x10200] =	vst v63  }
0x22: {  	_ =	swait.ge [sflag:s3], $0x100  }
0x23: {  	[sflag:s3] =	ssyncset.done $0x0  }
0x24: {  	[sflag:s3] =	ssyncadd.s32 $0xFFFFFF00  }
0x25: {  	[tilespmem:s6], [sflag:$0x3] =	stream.linear.gather [hbm4b:s5+s2], $0x100, $0x38;
	[tilespmem:$0x10200] =	vst v63  }
0x26: {  	_ =	swait.ge [sflag:s3], $0x100  }
0x27: {  	[sflag:s3] =	ssyncset.done $0x0  }
0x28: {  	[sflag:s3] =	ssyncadd.s32 $0xFFFFFF00  }
0x29: {  	[tilespmem:s8], [sflag:$0x1] =	stream.indirect.gather [hbm4b:s7+s6], $0x80, s2, s6, $0xb8;
	[tilespmem:$0x10200] =	vst v63  }
0x2a: {  	_ = 	snop  }
0x2b: {  	[tilespmem:s10], [sflag:$0x2] =	stream.indirect.gather [hbm4b:s9+s6], $0x80, s6, s6, $0xb8;
	[tilespmem:$0x10200] =	vst v63  }
0x2c: {  	_ =	swait.ge [sflag:s11], $0x8000  }
0x2d: {  	[sflag:s11] =	ssyncset.done $0x0  }
0x2e: {  	[sflag:s11] =	ssyncadd.s32 $0xFFFF8000  }
0x2f: {  	[hbm4b:s12+s2] =	stream.linear.scatter [tilespmem:s8], [sflag:$0x3], $0x8000, $0x38;
	[tilespmem:$0x10200] =	vst v63  }
0x30: {  	_ =	swait.ge [sflag:s3], $0x8000  }
0x31: {  	[sflag:s3] =	ssyncset.done $0x0  }
0x32: {  	[sflag:s3] =	ssyncadd.s32 $0xFFFF8000  }
0x33: {  	_ =	swait.ge [sflag:s13], $0x8000  }
.Ltmp1:
0x34: {  	[sflag:s13] =	ssyncset.done $0x0;
	(pc) =	sbr.rel @p0 .LBB2_1-.Ltmp1, $4  }
0x35: {  	[sflag:s13] =	ssyncadd.s32 $0xFFFF8000  }
0x36: {  	[hbm4b:s14+s2] =	stream.linear.scatter [tilespmem:s10], [sflag:$0x3], $0x8000, $0x38;
	[tilespmem:$0x10200] =	vst v63  }
0x37: {  	_ =	swait.ge [sflag:s3], $0x8000  }
0x38: {  	[sflag:s3] =	ssyncset.done $0x0  }
.LBB2_2:
0x39: {  	[sflag:s3] =	ssyncadd.s32 $0xFFFF8000  }
0x3a: {  	_ =	sfence.sel $0x180000  }
0x3b: {  	[bflag:$0x0] =	sbarrier.arrive $0xFFFF  }
0x3c: {  	p0 =	sne.s32 s0, $0x0;
	_ =	strace $0x90000047  }
0x3d: {  	s0 =	sadd.s32 @!p0 $0x100000, s1;
	[bflag:$0x2] =	sbarrier.arrive $0xFFFF  }
0x3e: {  	[sflag:s0] =	ssyncadd.tile.s32 @!p0 $0x1;
	_ =	shalt  }
.Lfunc_end2:
_tile_overlayer_lowered:
.L_overlay_start_2:
0x3f: {  	(tag) =	ssettag $0x2  }
0x40: {  	s0 =	rddreg [dreg:$0x0];
	s2 =	stileid.u32  }
0x41: {  	s1 =	rddreg [dreg:$0x1];
	p0 =	sne.s32 s2, $0x0  }
0x42: {  	s3 =	rddreg [dreg:$0x2];
	[bflag:$0x3] =	sbarrier.arrive $0xFFFF;
	s2 =	simm.s32 @!p0 $0x1C03  }
0x43: {  	[timem:s3], [sflag:s2] =	dma.local @!p0 [hbm:s0], s1  }
0x44: {  	s0 =	simm.s32 @!p0 $0x3  }
0x45: {  	_ =	swait.ge @!p0 [sflag:s0], s1  }
0x46: {  	s1 =	ssub.s32 @!p0 $0x0, s1;
	[sflag:s0] =	ssyncset.done @!p0 $0x0  }
0x47: {  	[sflag:s0] =	ssyncadd.s32 @!p0 s1  }
0x48: {  	[bflag:$0x3] =	sbarrier.arrive $0xFFFF  }
0x49: {  	_ =	shalt  }

</sc_bundles>
